<compile_context>
chip_gen: v7x
topology: tpu7x:2x2x1
jax: 0.10.2.dev20260603
libtpu: 0.0.44.dev20260713+nightly
codegen_flags: <defaults>
</compile_context>

<pallas_src>
import functools

import jax
import jax.numpy as jnp
from jax import lax
from jax.experimental import pallas as pl
from jax.experimental.pallas import tpu as pltpu
from jax.experimental.pallas import tpu_sc as plsc

_EPS = 1e-5


def _fold(layer):
    W, b = layer["W"], layer["b"]
    if "gamma" in layer:
        s = layer["gamma"] * jax.lax.rsqrt(layer["var"] + _EPS)
        W = W * s[None, :]
        b = (b - layer["mean"]) * s + layer["beta"]
    return W, b


def _fps_kernel(xyz_ref, out_ref, *, npoint):
    x0 = xyz_ref[:, 0, :]
    x1 = xyz_ref[:, 1, :]
    x2 = xyz_ref[:, 2, :]
    Bsz, Np = x0.shape
    iota = jax.lax.broadcasted_iota(jnp.int32, (Bsz, Np), 1)

    def body(i, state):
        distance, farthest = state
        onehot = (iota == farthest).astype(jnp.float32)
        c0 = jnp.sum(onehot * x0, axis=1, keepdims=True)
        c1 = jnp.sum(onehot * x1, axis=1, keepdims=True)
        c2 = jnp.sum(onehot * x2, axis=1, keepdims=True)
        out_ref[pl.ds(i, 1)] = jnp.concatenate([c0, c1, c2], axis=1)[None]
        dist = (x0 - c0) ** 2 + (x1 - c1) ** 2 + (x2 - c2) ** 2
        distance = jnp.minimum(distance, dist)
        farthest = jnp.argmax(distance, axis=1).astype(jnp.int32)[:, None]
        return distance, farthest

    init = (jnp.full((Bsz, Np), 1e10, jnp.float32),
            jnp.zeros((Bsz, 1), jnp.int32))
    jax.lax.fori_loop(0, npoint, body, init)


def _fps(xyz_cn, npoint):
    Bsz = xyz_cn.shape[0]
    out = pl.pallas_call(
        functools.partial(_fps_kernel, npoint=npoint),
        out_shape=jax.ShapeDtypeStruct((npoint, Bsz, 3), jnp.float32),
    )(xyz_cn)
    return jnp.transpose(out, (1, 0, 2))


def _fps_sc(xyz_cn, npoint):
    Bsz, _, Np = xyz_cn.shape
    nsl = Np // 16
    mesh = plsc.VectorSubcoreMesh(core_axis_name="c", subcore_axis_name="s")

    @functools.partial(
        pl.kernel,
        mesh=mesh,
        out_type=jax.ShapeDtypeStruct((Bsz, npoint * 16), jnp.float32),
        scratch_types=[
            pltpu.VMEM((3 * Np,), jnp.float32),
            pltpu.VMEM((Np,), jnp.float32),
            pltpu.VMEM((npoint * 16,), jnp.float32),
        ],
    )
    def k(xyz_hbm, out_hbm, xyz_v, dist_v, res_v):
        wid = lax.axis_index("s") * 2 + lax.axis_index("c")
        pltpu.sync_copy(xyz_hbm.at[wid], xyz_v)
        lane = lax.iota(jnp.int32, 16)
        def shuf(v, idx):
            return v.at[idx].get(mode="promise_in_bounds")

        def bfly(v, op):
            for kk in (1, 2, 4, 8):
                v = op(v, shuf(v, lane ^ kk))
            return v

        def init_body(s, _):
            dist_v[pl.ds(s * 16, 16)] = jnp.full((16,), 1e10, jnp.float32)
            return 0
        lax.fori_loop(0, nsl, init_body, 0)

        z16 = jnp.zeros((16,), jnp.int32)
        c0_0 = shuf(xyz_v[pl.ds(0, 16)], z16)
        c1_0 = shuf(xyz_v[pl.ds(Np, 16)], z16)
        c2_0 = shuf(xyz_v[pl.ds(2 * Np, 16)], z16)

        def step(i, carry):
            c0, c1, c2 = carry
            row = jnp.where(lane == 0, c0, jnp.where(lane == 1, c1, c2))
            res_v[pl.ds(i * 16, 16)] = row

            def upd(s, ucarry):
                runmax, runidx, r0, r1, r2 = ucarry
                x0 = xyz_v[pl.ds(s * 16, 16)]
                x1 = xyz_v[pl.ds(Np + s * 16, 16)]
                x2 = xyz_v[pl.ds(2 * Np + s * 16, 16)]
                d0 = x0 - c0
                d1 = x1 - c1
                d2 = x2 - c2
                d = d0 * d0 + d1 * d1 + d2 * d2
                d = jnp.minimum(dist_v[pl.ds(s * 16, 16)], d)
                dist_v[pl.ds(s * 16, 16)] = d
                better = d > runmax
                runmax = jnp.where(better, d, runmax)
                runidx = jnp.where(better, s * 16 + lane, runidx)
                r0 = jnp.where(better, x0, r0)
                r1 = jnp.where(better, x1, r1)
                r2 = jnp.where(better, x2, r2)
                return runmax, runidx, r0, r1, r2

            zf = jnp.zeros((16,), jnp.float32)
            runmax, runidx, r0, r1, r2 = lax.fori_loop(
                0, nsl, upd,
                (jnp.full((16,), -1.0, jnp.float32), z16, zf, zf, zf))
            m = bfly(runmax, jnp.maximum)
            cand = jnp.where(runmax == m, runidx, Np)
            widx = bfly(cand, jnp.minimum)
            lwin = bfly(jnp.where(runidx == widx, lane, 16), jnp.minimum)
            return shuf(r0, lwin), shuf(r1, lwin), shuf(r2, lwin)

        lax.fori_loop(0, npoint, step, (c0_0, c1_0, c2_0))
        pltpu.sync_copy(res_v, out_hbm.at[wid])

    out = k(xyz_cn.reshape(Bsz, 3 * Np))
    return out.reshape(Bsz, npoint, 16)[:, :, :3]


def _sa_kernel(xyz_ref, pts_ref, new_ref, *wb_refs, out_ref, radius, nsample,
               has_pts):
    xyz = xyz_ref[0]
    new = new_ref[0]
    Np = xyz.shape[0]
    CH = new.shape[0]

    sqr = (jnp.sum(new * new, axis=1, keepdims=True)
           + jnp.sum(xyz * xyz, axis=1)[None, :]
           - 2.0 * jax.lax.dot_general(
               new, xyz, (((1,), (1,)), ((), ())),
               preferred_element_type=jnp.float32))
    maskf = (sqr <= radius * radius).astype(jnp.float32)

    G = Np // 128
    r_i = jax.lax.broadcasted_iota(jnp.int32, (128, 128), 0)
    c_i = jax.lax.broadcasted_iota(jnp.int32, (128, 128), 1)
    tri = (r_i < c_i).astype(jnp.float32)
    maskc = maskf.reshape(CH * G, 128)
    rloc = jax.lax.dot_general(maskc, tri, (((1,), (0,)), ((), ())),
                               preferred_element_type=jnp.float32)
    tot = (rloc[:, -1:] + maskc[:, -1:]).reshape(CH, G)
    g_r = jax.lax.broadcasted_iota(jnp.int32, (G, G), 0)
    g_c = jax.lax.broadcasted_iota(jnp.int32, (G, G), 1)
    trig = (g_r < g_c).astype(jnp.float32)
    pre = jax.lax.dot_general(tot, trig, (((1,), (0,)), ((), ())),
                              preferred_element_type=jnp.float32)
    rank = (rloc.reshape(CH, G, 128)
            + pre[:, :, None]).reshape(CH, Np).astype(jnp.int32)
    count = rank[:, -1:] + maskf[:, -1:].astype(jnp.int32)

    rankm = jnp.where(maskf > 0.0, rank, -1)
    jiota = jax.lax.broadcasted_iota(jnp.int32, (CH, nsample, Np), 1)
    sel = jnp.where(rankm[:, None, :] == jiota, 1.0, 0.0)
    sel2 = sel.reshape(CH * nsample, Np)

    gx = jax.lax.dot_general(sel2, xyz, (((1,), (0,)), ((), ())),
                             preferred_element_type=jnp.float32)
    gx = gx.reshape(CH, nsample, 3)
    slot = jax.lax.broadcasted_iota(jnp.int32, (CH, nsample, 1), 1)
    valid = slot < count[:, :, None]
    gx = jnp.where(valid, gx, gx[:, 0:1, :])
    gx = gx - new[:, None, :]

    if has_pts:
        pts = pts_ref[0]
        gp = jax.lax.dot_general(sel2, pts, (((1,), (0,)), ((), ())),
                                 preferred_element_type=jnp.float32)
        gp = gp.reshape(CH, nsample, pts.shape[1])
        gp = jnp.where(valid, gp, gp[:, 0:1, :])
        h = jnp.concatenate([gx, gp], axis=2)
    else:
        h = gx
    h = h.reshape(CH * nsample, h.shape[2])

    for k in range(0, len(wb_refs), 2):
        W = wb_refs[k][...]
        b = wb_refs[k + 1][...]
        h = jax.lax.dot_general(h, W, (((1,), (0,)), ((), ())),
                                preferred_element_type=jnp.float32)
        h = jnp.maximum(h + b, 0.0)

    h = h.reshape(CH, nsample, h.shape[1])
    out_ref[0] = jnp.max(h, axis=1)


def _sa(xyz, pts, new_xyz, wbs, radius, nsample, chunk):
    Bsz, Np, _ = xyz.shape
    S = new_xyz.shape[1]
    Cout = wbs[-2].shape[1]
    nchunks = S // chunk
    has_pts = pts is not None
    Cpts = pts.shape[2] if has_pts else 0

    in_specs = [pl.BlockSpec((1, Np, 3), lambda b, c: (b, 0, 0))]
    ins = [xyz]
    if has_pts:
        in_specs.append(pl.BlockSpec((1, Np, Cpts), lambda b, c: (b, 0, 0)))
        ins.append(pts)
    in_specs.append(pl.BlockSpec((1, chunk, 3), lambda b, c: (b, c, 0)))
    ins.append(new_xyz)
    for wb in wbs:
        in_specs.append(pl.BlockSpec(wb.shape, lambda b, c: (0, 0)))
        ins.append(wb)

    def kern(*refs):
        if has_pts:
            xyz_ref, pts_ref, new_ref, *wb_refs = refs[:-1]
        else:
            xyz_ref, new_ref, *wb_refs = refs[:-1]
            pts_ref = None
        _sa_kernel(xyz_ref, pts_ref, new_ref, *wb_refs, out_ref=refs[-1],
                   radius=radius, nsample=nsample, has_pts=has_pts)

    return pl.pallas_call(
        kern,
        grid=(Bsz, nchunks),
        in_specs=in_specs,
        out_specs=pl.BlockSpec((1, chunk, Cout), lambda b, c: (b, c, 0)),
        out_shape=jax.ShapeDtypeStruct((Bsz, S, Cout), jnp.float32),
    )(*ins)


def _head_kernel(xyz_ref, pts_ref, *wb_refs_and_out):
    *wb_refs, out_ref = wb_refs_and_out
    Bsz, S, Cp = pts_ref.shape
    h = jnp.concatenate([xyz_ref[...].reshape(Bsz * S, 3),
                         pts_ref[...].reshape(Bsz * S, Cp)], axis=1)
    for k in range(0, 6, 2):
        W = wb_refs[k][...]
        b = wb_refs[k + 1][...]
        h = jax.lax.dot_general(h, W, (((1,), (0,)), ((), ())),
                                preferred_element_type=jnp.float32)
        h = jnp.maximum(h + b, 0.0)
    h = jnp.max(h.reshape(Bsz, S, h.shape[1]), axis=1)
    for k in range(6, len(wb_refs), 2):
        W = wb_refs[k][...]
        b = wb_refs[k + 1][...]
        h = jax.lax.dot_general(h, W, (((1,), (0,)), ((), ())),
                                preferred_element_type=jnp.float32)
        h = h + b
        if k < len(wb_refs) - 2:
            h = jnp.maximum(h, 0.0)
    m = jnp.max(h, axis=1, keepdims=True)
    sh = h - m
    out_ref[...] = sh - jnp.log(jnp.sum(jnp.exp(sh), axis=1, keepdims=True))


def _head(xyz, pts, wbs, num_class):
    Bsz = xyz.shape[0]
    return pl.pallas_call(
        _head_kernel,
        out_shape=jax.ShapeDtypeStruct((Bsz, num_class), jnp.float32),
    )(xyz, pts, *wbs)


def kernel(xyz, params):
    x = jnp.transpose(xyz, (0, 2, 1))

    sa1_wbs = [a for l in params["sa1"] for a in _fold(l)]
    sa2_wbs = [a for l in params["sa2"] for a in _fold(l)]
    sa3_wbs = [a for l in params["sa3"] for a in _fold(l)]
    fc_wbs = [a for n in ("fc1", "fc2", "fc3") for a in _fold(params[n])]
    head_wbs = [w if w.ndim == 2 else w[None, :] for w in sa3_wbs + fc_wbs]
    sa1_wbs = [w if w.ndim == 2 else w[None, :] for w in sa1_wbs]
    sa2_wbs = [w if w.ndim == 2 else w[None, :] for w in sa2_wbs]

    l1_xyz = _fps(xyz, 512)
    l1_pts = _sa(x, None, l1_xyz, sa1_wbs, radius=0.2, nsample=32, chunk=64)
    l2_xyz = _fps_sc(jnp.transpose(l1_xyz, (0, 2, 1)), 128)
    l2_pts = _sa(l1_xyz, l1_pts, l2_xyz, sa2_wbs, radius=0.4, nsample=64,
                 chunk=64)
    return _head(l2_xyz, l2_pts, head_wbs, 40)

# --- scband reference (transcript-rebuilt; emitter-appended) ---
"""Pipeline reference for scband-net-79628693668343 (READ-ONLY COPY).

The authoritative reference and input builder live on the scoring server;
editing this copy changes nothing except your own understanding.
"""

import jax, jax.numpy as jnp
import numpy as np

B = 32
N = 1024
NUM_CLASS = 40
EPS = 1e-5

def _linear_init(key, fan_in, fan_out):
    k1, k2 = jax.random.split(key)
    lim = 1.0 / np.sqrt(fan_in)
    W = jax.random.uniform(k1, (fan_in, fan_out), minval=-lim, maxval=lim, dtype=jnp.float32)
    b = jax.random.uniform(k2, (fan_out,), minval=-lim, maxval=lim, dtype=jnp.float32)
    return W, b

def _bn_params(c):
    return {"gamma": jnp.ones((c,), jnp.float32), "beta": jnp.zeros((c,), jnp.float32), "mean": jnp.zeros((c,), jnp.float32), "var": jnp.ones((c,), jnp.float32)}

def setup_inputs(seed: int = 0):
    key = jax.random.key(seed)
    keys = jax.random.split(key, 32)
    xyz = jax.random.normal(keys[0], (B, 3, N), dtype=jnp.float32)
    params = {}
    k = 1
    for name, dims in [("sa1", [3, 64, 64, 128]), ("sa2", [131, 128, 128, 256]), ("sa3", [259, 256, 512, 1024])]:
        layers = []
        for fi, fo in zip(dims[:-1], dims[1:]):
            W, b = _linear_init(keys[k], fi, fo); k += 1
            layer = {"W": W, "b": b}
            layer.update(_bn_params(fo))
            layers.append(layer)
        params[name] = layers
    for name, fi, fo, bn in [("fc1", 1024, 512, True), ("fc2", 512, 256, True), ("fc3", 256, NUM_CLASS, False)]:
        W, b = _linear_init(keys[k], fi, fo); k += 1
        layer = {"W": W, "b": b}
        if bn:
            layer.update(_bn_params(fo))
        params[name] = layer
    return {"xyz": xyz, "params": params}

def _square_distance(src, dst):
    return jnp.sum(src ** 2, -1)[:, :, None] + jnp.sum(dst ** 2, -1)[:, None, :] - 2.0 * jnp.einsum("bsc,bnc->bsn", src, dst)

def _index_points(points, idx):
    Bsz = points.shape[0]
    C = points.shape[-1]
    flat = idx.reshape(Bsz, -1)
    gathered = jnp.take_along_axis(points, jnp.broadcast_to(flat[:, :, None], (Bsz, flat.shape[1], C)), axis=1)
    return gathered.reshape(idx.shape + (C,))

def _farthest_point_sample(xyz, npoint):
    xyz = jax.lax.stop_gradient(xyz)
    Bsz, Np, _ = xyz.shape
    def body(i, state):
        centroids, distance, farthest = state
        centroids = centroids.at[:, i].set(farthest)
        centroid = jnp.take_along_axis(xyz, jnp.broadcast_to(farthest[:, None, None], (Bsz, 1, 3)), axis=1)
        dist = jnp.sum((xyz - centroid) ** 2, -1)
        distance = jnp.minimum(distance, dist)
        farthest = jnp.argmax(distance, -1).astype(jnp.int32)
        return centroids, distance, farthest
    init = (jnp.zeros((Bsz, npoint), jnp.int32), jnp.full((Bsz, Np), 1e10, jnp.float32), jnp.zeros((Bsz,), jnp.int32))
    centroids, _, _ = jax.lax.fori_loop(0, npoint, body, init)
    return centroids

def _query_ball_point(radius, nsample, xyz, new_xyz):
    Np = xyz.shape[1]
    sqr = _square_distance(jax.lax.stop_gradient(new_xyz), jax.lax.stop_gradient(xyz))
    grp = jnp.broadcast_to(jnp.arange(Np, dtype=jnp.int32), sqr.shape)
    grp = jnp.where(sqr > radius ** 2, Np, grp)
    grp = jnp.sort(grp, axis=-1)[:, :, :nsample]
    first = grp[:, :, 0:1]
    grp = jnp.where(grp == Np, jnp.broadcast_to(first, grp.shape), grp)
    return grp

def _mlp_layer(x, layer):
    x = x @ layer["W"] + layer["b"]
    x = layer["gamma"] * (x - layer["mean"]) / jnp.sqrt(layer["var"] + EPS) + layer["beta"]
    return jax.nn.relu(x)

def _set_abstraction(xyz, points, npoint, radius, nsample, layers, group_all):
    if group_all:
        new_xyz = jnp.zeros((xyz.shape[0], 1, 3), jnp.float32)
        grouped_xyz = xyz[:, None, :, :]
        if points is not None:
            new_points = jnp.concatenate([grouped_xyz, points[:, None, :, :]], -1)
        else:
            new_points = grouped_xyz
    else:
        fps_idx = _farthest_point_sample(xyz, npoint)
        new_xyz = _index_points(xyz, fps_idx)
        idx = _query_ball_point(radius, nsample, xyz, new_xyz)
        grouped_xyz = _index_points(xyz, idx) - new_xyz[:, :, None, :]
        if points is not None:
            new_points = jnp.concatenate([grouped_xyz, _index_points(points, idx)], -1)
        else:
            new_points = grouped_xyz
    for layer in layers:
        new_points = _mlp_layer(new_points, layer)
    new_points = jnp.max(new_points, axis=2)
    return new_xyz, new_points

def _forward(xyz, params):
    x = jnp.transpose(xyz, (0, 2, 1))
    l1_xyz, l1_points = _set_abstraction(x, None, 512, 0.2, 32, params["sa1"], False)
    l2_xyz, l2_points = _set_abstraction(l1_xyz, l1_points, 128, 0.4, 64, params["sa2"], False)
    _, l3_points = _set_abstraction(l2_xyz, l2_points, None, None, None, params["sa3"], True)
    h = l3_points.reshape(xyz.shape[0], 1024)
    for name in ("fc1", "fc2"):
        layer = params[name]
        h = h @ layer["W"] + layer["b"]
        h = layer["gamma"] * (h - layer["mean"]) / jnp.sqrt(layer["var"] + EPS) + layer["beta"]
        h = jax.nn.relu(h)
    logits = h @ params["fc3"]["W"] + params["fc3"]["b"]
    return jax.nn.log_softmax(logits, -1)

def reference(xyz, params):
    return _forward(xyz, params)

if __name__ == "__main__":
    import jax
    _d = setup_inputs()
    print(jax.jit(kernel)(*tuple(_d.values())))

</pallas_src>

<mosaic_0001>
#map = affine_map<(d0, d1) -> (0, 0)>
module attributes {stable_mosaic.version = 14 : i64} {
  func.func @k(%arg0: i32, %arg1: i32, %arg2: memref<32x1536xf32, #tpu.memory_space<hbm>>, %arg3: memref<32x2048xf32, #tpu.memory_space<hbm>>, %arg4: memref<1536xf32, #tpu.memory_space<vmem>>, %arg5: memref<512xf32, #tpu.memory_space<vmem>>, %arg6: memref<2048xf32, #tpu.memory_space<vmem>>) attributes {dimension_semantics = [#tpu.dimension_semantics<core_parallel>, #tpu.dimension_semantics<subcore_parallel>], iteration_bounds = array<i64: 2, 16>, scalar_prefetch = 0 : i64, scratch_operands = 3 : i64, tpu.core_type = #tpu.core_type<sc_vector_subcore>, window_params = [{transform_indices = #map}, {transform_indices = #map}]} {
    %mul3A = arith.constant 2 : i32
    %mul3A_0 = arith.muli %arg1, %mul3A : i32
    %add3A = arith.addi %mul3A_0, %arg0 : i32
    "tpu.region"() ({
      %run_scoped3A = tpu.sem_alloc : memref<!tpu.dma_semaphore, #tpu.memory_space<semaphore_mem>>
      %dma_start3A = arith.constant 0 : i32
      %dma_start3A_49 = tpu.memref_slice %arg2[%add3A, %dma_start3A] : memref<32x1536xf32, #tpu.memory_space<hbm>> -> memref<1x1536xf32, #tpu.memory_space<hbm>>
      %dma_start3A_50 = tpu.memref_squeeze %dma_start3A_49 : memref<1x1536xf32, #tpu.memory_space<hbm>> -> memref<1536xf32, #tpu.memory_space<hbm>>
      %dma_start3A_51 = arith.constant 0 : i32
      %dma_start3A_52 = tpu.memref_slice %arg2[%add3A, %dma_start3A_51] : memref<32x1536xf32, #tpu.memory_space<hbm>> -> memref<1x1536xf32, #tpu.memory_space<hbm>>
      %dma_start3A_53 = tpu.memref_squeeze %dma_start3A_52 : memref<1x1536xf32, #tpu.memory_space<hbm>> -> memref<1536xf32, #tpu.memory_space<hbm>>
      tpu.enqueue_dma source(%dma_start3A_53 : memref<1536xf32, #tpu.memory_space<hbm>>) target(%arg4 : memref<1536xf32, #tpu.memory_space<vmem>>) target_semaphore(%run_scoped3A : memref<!tpu.dma_semaphore, #tpu.memory_space<semaphore_mem>>)
      %dma_wait3A = arith.constant 0 : i32
      %dma_wait3A_54 = tpu.memref_slice %arg2[%add3A, %dma_wait3A] : memref<32x1536xf32, #tpu.memory_space<hbm>> -> memref<1x1536xf32, #tpu.memory_space<hbm>>
      %dma_wait3A_55 = tpu.memref_squeeze %dma_wait3A_54 : memref<1x1536xf32, #tpu.memory_space<hbm>> -> memref<1536xf32, #tpu.memory_space<hbm>>
      %dma_wait3A_56 = arith.constant 0 : i32
      %dma_wait3A_57 = tpu.memref_slice %arg2[%add3A, %dma_wait3A_56] : memref<32x1536xf32, #tpu.memory_space<hbm>> -> memref<1x1536xf32, #tpu.memory_space<hbm>>
      %dma_wait3A_58 = tpu.memref_squeeze %dma_wait3A_57 : memref<1x1536xf32, #tpu.memory_space<hbm>> -> memref<1536xf32, #tpu.memory_space<hbm>>
      tpu.wait_dma2 semaphore(%run_scoped3A : memref<!tpu.dma_semaphore, #tpu.memory_space<semaphore_mem>>) src(%dma_wait3A_58 : memref<1536xf32, #tpu.memory_space<hbm>>) dst(%arg4 : memref<1536xf32, #tpu.memory_space<vmem>>)
      tpu.yield
    }) : () -> ()
    %iota3A = tpu.iota {dimensions = array<i32: 0>} : vector<16xi32>
    %scan3A = arith.constant 0 : i32
    %scan3A_1 = arith.constant 0 : i32
    %scan3A_2 = arith.constant 32 : i32
    %scan3A_3 = arith.addi %scan3A_1, %scan3A_2 : i32
    %scan3A_4 = arith.constant 1 : i32
    %scan3A_5 = scf.for %scan3A_49 = %scan3A_1 to %scan3A_3 step %scan3A_4 iter_args(%scan3A_50 = %scan3A) -> (i32)  : i32 {
      %broadcast_in_dim3A_51 = arith.constant 1.000000e+10 : f32
      %broadcast_in_dim3A_52 = vector.broadcast %broadcast_in_dim3A_51 : f32 to vector<16xf32>
      %mul3A_53 = arith.constant 16 : i32
      %mul3A_54 = arith.muli %scan3A_49, %mul3A_53 : i32
      %swap3A = arith.index_cast %mul3A_54 : i32 to index
      %swap3A_55 = tpu.vector_load %arg5[%swap3A] {strides = array<i32>} : memref<512xf32, #tpu.memory_space<vmem>>, vector<16xf32>,
      %swap3A_56 = vector.shape_cast %swap3A_55 : vector<16xf32> to vector<16xf32>
      %swap3A_57 = vector.shape_cast %broadcast_in_dim3A_52 : vector<16xf32> to vector<16xf32>
      tpu.vector_store %arg5[%swap3A], %swap3A_57 {strides = array<i32>} : memref<512xf32, #tpu.memory_space<vmem>>, vector<16xf32>,
      %scan3A_58 = arith.constant 0 : i32
      scf.yield %scan3A_58 : i32
    }
    %scan3A_6 = arith.constant 32 : i32
    %broadcast_in_dim3A = arith.constant 0 : i32
    %broadcast_in_dim3A_7 = vector.broadcast %broadcast_in_dim3A : i32 to vector<16xi32>
    %get3A = arith.constant 0 : index
    %get3A_8 = tpu.vector_load %arg4[%get3A] {strides = array<i32>} : memref<1536xf32, #tpu.memory_space<vmem>>, vector<16xf32>,
    %get3A_9 = vector.shape_cast %get3A_8 : vector<16xf32> to vector<16xf32>
    %lt3A = arith.constant 0 : i32
    %lt3A_10 = vector.broadcast %lt3A : i32 to vector<16xi32>
    %lt3A_11 = arith.cmpi slt, %broadcast_in_dim3A_7, %lt3A_10 : vector<16xi32>
    %add3A_12 = arith.constant 16 : i32
    %add3A_13 = vector.broadcast %add3A_12 : i32 to vector<16xi32>
    %add3A_14 = arith.addi %broadcast_in_dim3A_7, %add3A_13 : vector<16xi32>
    %select_n3A = arith.select %lt3A_11, %add3A_14, %broadcast_in_dim3A_7 : vector<16xi1>, vector<16xi32>
    %broadcast_in_dim3A_15 = vector.shape_cast %select_n3A : vector<16xi32> to vector<16x1xi32>
    %gather3A = vector.shape_cast %broadcast_in_dim3A_15 : vector<16x1xi32> to vector<16xi32>
    %gather3A_16 = tpu.dynamic_gather %get3A_9[%gather3A] in [0] : vector<16xf32>, vector<16xi32> -> vector<16xf32>
    %get3A_17 = arith.constant 512 : index
    %get3A_18 = tpu.vector_load %arg4[%get3A_17] {strides = array<i32>} : memref<1536xf32, #tpu.memory_space<vmem>>, vector<16xf32>,
    %get3A_19 = vector.shape_cast %get3A_18 : vector<16xf32> to vector<16xf32>
    %lt3A_20 = arith.constant 0 : i32
    %lt3A_21 = vector.broadcast %lt3A_20 : i32 to vector<16xi32>
    %lt3A_22 = arith.cmpi slt, %broadcast_in_dim3A_7, %lt3A_21 : vector<16xi32>
    %add3A_23 = arith.constant 16 : i32
    %add3A_24 = vector.broadcast %add3A_23 : i32 to vector<16xi32>
    %add3A_25 = arith.addi %broadcast_in_dim3A_7, %add3A_24 : vector<16xi32>
    %select_n3A_26 = arith.select %lt3A_22, %add3A_25, %broadcast_in_dim3A_7 : vector<16xi1>, vector<16xi32>
    %broadcast_in_dim3A_27 = vector.shape_cast %select_n3A_26 : vector<16xi32> to vector<16x1xi32>
    %gather3A_28 = vector.shape_cast %broadcast_in_dim3A_27 : vector<16x1xi32> to vector<16xi32>
    %gather3A_29 = tpu.dynamic_gather %get3A_19[%gather3A_28] in [0] : vector<16xf32>, vector<16xi32> -> vector<16xf32>
    %get3A_30 = arith.constant 1024 : index
    %get3A_31 = tpu.vector_load %arg4[%get3A_30] {strides = array<i32>} : memref<1536xf32, #tpu.memory_space<vmem>>, vector<16xf32>,
    %get3A_32 = vector.shape_cast %get3A_31 : vector<16xf32> to vector<16xf32>
    %lt3A_33 = arith.constant 0 : i32
    %lt3A_34 = vector.broadcast %lt3A_33 : i32 to vector<16xi32>
    %lt3A_35 = arith.cmpi slt, %broadcast_in_dim3A_7, %lt3A_34 : vector<16xi32>
    %add3A_36 = arith.constant 16 : i32
    %add3A_37 = vector.broadcast %add3A_36 : i32 to vector<16xi32>
    %add3A_38 = arith.addi %broadcast_in_dim3A_7, %add3A_37 : vector<16xi32>
    %select_n3A_39 = arith.select %lt3A_35, %add3A_38, %broadcast_in_dim3A_7 : vector<16xi1>, vector<16xi32>
    %broadcast_in_dim3A_40 = vector.shape_cast %select_n3A_39 : vector<16xi32> to vector<16x1xi32>
    %gather3A_41 = vector.shape_cast %broadcast_in_dim3A_40 : vector<16x1xi32> to vector<16xi32>
    %gather3A_42 = tpu.dynamic_gather %get3A_32[%gather3A_41] in [0] : vector<16xf32>, vector<16xi32> -> vector<16xf32>
    %scan3A_43 = arith.constant 0 : i32
    %scan3A_44 = arith.constant 128 : i32
    %scan3A_45 = arith.addi %scan3A_43, %scan3A_44 : i32
    %scan3A_46 = arith.constant 1 : i32
    %scan3A_47:3 = scf.for %scan3A_49 = %scan3A_43 to %scan3A_45 step %scan3A_46 iter_args(%scan3A_50 = %gather3A_16, %scan3A_51 = %gather3A_29, %scan3A_52 = %gather3A_42) -> (vector<16xf32>, vector<16xf32>, vector<16xf32>)  : i32 {
      %eq3A = arith.constant 0 : i32
      %eq3A_53 = vector.broadcast %eq3A : i32 to vector<16xi32>
      %eq3A_54 = arith.cmpi eq, %iota3A, %eq3A_53 : vector<16xi32>
      %eq3A_55 = arith.constant 1 : i32
      %eq3A_56 = vector.broadcast %eq3A_55 : i32 to vector<16xi32>
      %eq3A_57 = arith.cmpi eq, %iota3A, %eq3A_56 : vector<16xi32>
      %select_n3A_58 = arith.select %eq3A_57, %scan3A_51, %scan3A_52 : vector<16xi1>, vector<16xf32>
      %select_n3A_59 = arith.select %eq3A_54, %scan3A_50, %select_n3A_58 : vector<16xi1>, vector<16xf32>
      %mul3A_60 = arith.constant 16 : i32
      %mul3A_61 = arith.muli %scan3A_49, %mul3A_60 : i32
      %swap3A = arith.index_cast %mul3A_61 : i32 to index
      %swap3A_62 = tpu.vector_load %arg6[%swap3A] {strides = array<i32>} : memref<2048xf32, #tpu.memory_space<vmem>>, vector<16xf32>,
      %swap3A_63 = vector.shape_cast %swap3A_62 : vector<16xf32> to vector<16xf32>
      %swap3A_64 = vector.shape_cast %select_n3A_59 : vector<16xf32> to vector<16xf32>
      tpu.vector_store %arg6[%swap3A], %swap3A_64 {strides = array<i32>} : memref<2048xf32, #tpu.memory_space<vmem>>, vector<16xf32>,
      %broadcast_in_dim3A_65 = arith.constant 0.000000e+00 : f32
      %broadcast_in_dim3A_66 = vector.broadcast %broadcast_in_dim3A_65 : f32 to vector<16xf32>
      %broadcast_in_dim3A_67 = arith.constant -1.000000e+00 : f32
      %broadcast_in_dim3A_68 = vector.broadcast %broadcast_in_dim3A_67 : f32 to vector<16xf32>
      %scan3A_69 = arith.constant 0 : i32
      %scan3A_70 = arith.constant 32 : i32
      %scan3A_71 = arith.addi %scan3A_69, %scan3A_70 : i32
      %scan3A_72 = arith.constant 1 : i32
      %scan3A_73:5 = scf.for %scan3A_277 = %scan3A_69 to %scan3A_71 step %scan3A_72 iter_args(%scan3A_278 = %broadcast_in_dim3A_68, %scan3A_279 = %broadcast_in_dim3A_7, %scan3A_280 = %broadcast_in_dim3A_66, %scan3A_281 = %broadcast_in_dim3A_66, %scan3A_282 = %broadcast_in_dim3A_66) -> (vector<16xf32>, vector<16xi32>, vector<16xf32>, vector<16xf32>, vector<16xf32>)  : i32 {
        %mul3A_283 = arith.constant 16 : i32
        %mul3A_284 = arith.muli %scan3A_277, %mul3A_283 : i32
        %get3A_285 = arith.index_cast %mul3A_284 : i32 to index
        %get3A_286 = tpu.vector_load %arg4[%get3A_285] {strides = array<i32>} : memref<1536xf32, #tpu.memory_space<vmem>>, vector<16xf32>,
        %get3A_287 = vector.shape_cast %get3A_286 : vector<16xf32> to vector<16xf32>
        %mul3A_288 = arith.constant 16 : i32
        %mul3A_289 = arith.muli %scan3A_277, %mul3A_288 : i32
        %add3A_290 = arith.constant 512 : i32
        %add3A_291 = arith.addi %add3A_290, %mul3A_289 : i32
        %get3A_292 = arith.index_cast %add3A_291 : i32 to index
        %get3A_293 = tpu.vector_load %arg4[%get3A_292] {strides = array<i32>} : memref<1536xf32, #tpu.memory_space<vmem>>, vector<16xf32>,
        %get3A_294 = vector.shape_cast %get3A_293 : vector<16xf32> to vector<16xf32>
        %mul3A_295 = arith.constant 16 : i32
        %mul3A_296 = arith.muli %scan3A_277, %mul3A_295 : i32
        %add3A_297 = arith.constant 1024 : i32
        %add3A_298 = arith.addi %add3A_297, %mul3A_296 : i32
        %get3A_299 = arith.index_cast %add3A_298 : i32 to index
        %get3A_300 = tpu.vector_load %arg4[%get3A_299] {strides = array<i32>} : memref<1536xf32, #tpu.memory_space<vmem>>, vector<16xf32>,
        %get3A_301 = vector.shape_cast %get3A_300 : vector<16xf32> to vector<16xf32>
        %sub3A = arith.subf %get3A_287, %scan3A_50 : vector<16xf32>
        %sub3A_302 = arith.subf %get3A_294, %scan3A_51 : vector<16xf32>
        %sub3A_303 = arith.subf %get3A_301, %scan3A_52 : vector<16xf32>
        %mul3A_304 = arith.mulf %sub3A, %sub3A : vector<16xf32>
        %mul3A_305 = arith.mulf %sub3A_302, %sub3A_302 : vector<16xf32>
        %add3A_306 = arith.addf %mul3A_304, %mul3A_305 : vector<16xf32>
        %mul3A_307 = arith.mulf %sub3A_303, %sub3A_303 : vector<16xf32>
        %add3A_308 = arith.addf %add3A_306, %mul3A_307 : vector<16xf32>
        %mul3A_309 = arith.constant 16 : i32
        %mul3A_310 = arith.muli %scan3A_277, %mul3A_309 : i32
        %get3A_311 = arith.index_cast %mul3A_310 : i32 to index
        %get3A_312 = tpu.vector_load %arg5[%get3A_311] {strides = array<i32>} : memref<512xf32, #tpu.memory_space<vmem>>, vector<16xf32>,
        %get3A_313 = vector.shape_cast %get3A_312 : vector<16xf32> to vector<16xf32>
        %min3A_314 = arith.minimumf %get3A_313, %add3A_308 : vector<16xf32>
        %mul3A_315 = arith.constant 16 : i32
        %mul3A_316 = arith.muli %scan3A_277, %mul3A_315 : i32
        %swap3A_317 = arith.index_cast %mul3A_316 : i32 to index
        %swap3A_318 = tpu.vector_load %arg5[%swap3A_317] {strides = array<i32>} : memref<512xf32, #tpu.memory_space<vmem>>, vector<16xf32>,
        %swap3A_319 = vector.shape_cast %swap3A_318 : vector<16xf32> to vector<16xf32>
        %swap3A_320 = vector.shape_cast %min3A_314 : vector<16xf32> to vector<16xf32>
        tpu.vector_store %arg5[%swap3A_317], %swap3A_320 {strides = array<i32>} : memref<512xf32, #tpu.memory_space<vmem>>, vector<16xf32>,
        %gt3A = arith.cmpf ogt, %min3A_314, %scan3A_278 : vector<16xf32>
        %select_n3A_321 = arith.select %gt3A, %min3A_314, %scan3A_278 : vector<16xi1>, vector<16xf32>
        %mul3A_322 = arith.constant 16 : i32
        %mul3A_323 = arith.muli %scan3A_277, %mul3A_322 : i32
        %add3A_324 = vector.broadcast %mul3A_323 : i32 to vector<16xi32>
        %add3A_325 = arith.addi %add3A_324, %iota3A : vector<16xi32>
        %select_n3A_326 = arith.select %gt3A, %add3A_325, %scan3A_279 : vector<16xi1>, vector<16xi32>
        %select_n3A_327 = arith.select %gt3A, %get3A_287, %scan3A_280 : vector<16xi1>, vector<16xf32>
        %select_n3A_328 = arith.select %gt3A, %get3A_294, %scan3A_281 : vector<16xi1>, vector<16xf32>
        %select_n3A_329 = arith.select %gt3A, %get3A_301, %scan3A_282 : vector<16xi1>, vector<16xf32>
        scf.yield %select_n3A_321, %select_n3A_326, %select_n3A_327, %select_n3A_328, %select_n3A_329 : vector<16xf32>, vector<16xi32>, vector<16xf32>, vector<16xf32>, vector<16xf32>
      }
      %scan3A_74 = arith.constant 32 : i32
      %xor3A = arith.constant 1 : i32
      %xor3A_75 = vector.broadcast %xor3A : i32 to vector<16xi32>
      %xor3A_76 = arith.xori %iota3A, %xor3A_75 : vector<16xi32>
      %lt3A_77 = arith.constant 0 : i32
      %lt3A_78 = vector.broadcast %lt3A_77 : i32 to vector<16xi32>
      %lt3A_79 = arith.cmpi slt, %xor3A_76, %lt3A_78 : vector<16xi32>
      %add3A_80 = arith.constant 16 : i32
      %add3A_81 = vector.broadcast %add3A_80 : i32 to vector<16xi32>
      %add3A_82 = arith.addi %xor3A_76, %add3A_81 : vector<16xi32>
      %select_n3A_83 = arith.select %lt3A_79, %add3A_82, %xor3A_76 : vector<16xi1>, vector<16xi32>
      %broadcast_in_dim3A_84 = vector.shape_cast %select_n3A_83 : vector<16xi32> to vector<16x1xi32>
      %gather3A_85 = vector.shape_cast %broadcast_in_dim3A_84 : vector<16x1xi32> to vector<16xi32>
      %gather3A_86 = tpu.dynamic_gather %scan3A_73#0[%gather3A_85] in [0] : vector<16xf32>, vector<16xi32> -> vector<16xf32>
      %max3A = arith.maximumf %scan3A_73#0, %gather3A_86 : vector<16xf32>
      %xor3A_87 = arith.constant 2 : i32
      %xor3A_88 = vector.broadcast %xor3A_87 : i32 to vector<16xi32>
      %xor3A_89 = arith.xori %iota3A, %xor3A_88 : vector<16xi32>
      %lt3A_90 = arith.constant 0 : i32
      %lt3A_91 = vector.broadcast %lt3A_90 : i32 to vector<16xi32>
      %lt3A_92 = arith.cmpi slt, %xor3A_89, %lt3A_91 : vector<16xi32>
      %add3A_93 = arith.constant 16 : i32
      %add3A_94 = vector.broadcast %add3A_93 : i32 to vector<16xi32>
      %add3A_95 = arith.addi %xor3A_89, %add3A_94 : vector<16xi32>
      %select_n3A_96 = arith.select %lt3A_92, %add3A_95, %xor3A_89 : vector<16xi1>, vector<16xi32>
      %broadcast_in_dim3A_97 = vector.shape_cast %select_n3A_96 : vector<16xi32> to vector<16x1xi32>
      %gather3A_98 = vector.shape_cast %broadcast_in_dim3A_97 : vector<16x1xi32> to vector<16xi32>
      %gather3A_99 = tpu.dynamic_gather %max3A[%gather3A_98] in [0] : vector<16xf32>, vector<16xi32> -> vector<16xf32>
      %max3A_100 = arith.maximumf %max3A, %gather3A_99 : vector<16xf32>
      %xor3A_101 = arith.constant 4 : i32
      %xor3A_102 = vector.broadcast %xor3A_101 : i32 to vector<16xi32>
      %xor3A_103 = arith.xori %iota3A, %xor3A_102 : vector<16xi32>
      %lt3A_104 = arith.constant 0 : i32
      %lt3A_105 = vector.broadcast %lt3A_104 : i32 to vector<16xi32>
      %lt3A_106 = arith.cmpi slt, %xor3A_103, %lt3A_105 : vector<16xi32>
      %add3A_107 = arith.constant 16 : i32
      %add3A_108 = vector.broadcast %add3A_107 : i32 to vector<16xi32>
      %add3A_109 = arith.addi %xor3A_103, %add3A_108 : vector<16xi32>
      %select_n3A_110 = arith.select %lt3A_106, %add3A_109, %xor3A_103 : vector<16xi1>, vector<16xi32>
      %broadcast_in_dim3A_111 = vector.shape_cast %select_n3A_110 : vector<16xi32> to vector<16x1xi32>
      %gather3A_112 = vector.shape_cast %broadcast_in_dim3A_111 : vector<16x1xi32> to vector<16xi32>
      %gather3A_113 = tpu.dynamic_gather %max3A_100[%gather3A_112] in [0] : vector<16xf32>, vector<16xi32> -> vector<16xf32>
      %max3A_114 = arith.maximumf %max3A_100, %gather3A_113 : vector<16xf32>
      %xor3A_115 = arith.constant 8 : i32
      %xor3A_116 = vector.broadcast %xor3A_115 : i32 to vector<16xi32>
      %xor3A_117 = arith.xori %iota3A, %xor3A_116 : vector<16xi32>
      %lt3A_118 = arith.constant 0 : i32
      %lt3A_119 = vector.broadcast %lt3A_118 : i32 to vector<16xi32>
      %lt3A_120 = arith.cmpi slt, %xor3A_117, %lt3A_119 : vector<16xi32>
      %add3A_121 = arith.constant 16 : i32
      %add3A_122 = vector.broadcast %add3A_121 : i32 to vector<16xi32>
      %add3A_123 = arith.addi %xor3A_117, %add3A_122 : vector<16xi32>
      %select_n3A_124 = arith.select %lt3A_120, %add3A_123, %xor3A_117 : vector<16xi1>, vector<16xi32>
      %broadcast_in_dim3A_125 = vector.shape_cast %select_n3A_124 : vector<16xi32> to vector<16x1xi32>
      %gather3A_126 = vector.shape_cast %broadcast_in_dim3A_125 : vector<16x1xi32> to vector<16xi32>
      %gather3A_127 = tpu.dynamic_gather %max3A_114[%gather3A_126] in [0] : vector<16xf32>, vector<16xi32> -> vector<16xf32>
      %max3A_128 = arith.maximumf %max3A_114, %gather3A_127 : vector<16xf32>
      %eq3A_129 = arith.cmpf oeq, %scan3A_73#0, %max3A_128 : vector<16xf32>
      %jit3A = arith.constant 512 : i32
      %broadcast_in_dim3A_130 = vector.broadcast %jit3A : i32 to vector<16xi32>
      %select_n3A_131 = arith.select %eq3A_129, %scan3A_73#1, %broadcast_in_dim3A_130 : vector<16xi1>, vector<16xi32>
      %xor3A_132 = arith.constant 1 : i32
      %xor3A_133 = vector.broadcast %xor3A_132 : i32 to vector<16xi32>
      %xor3A_134 = arith.xori %iota3A, %xor3A_133 : vector<16xi32>
      %lt3A_135 = arith.constant 0 : i32
      %lt3A_136 = vector.broadcast %lt3A_135 : i32 to vector<16xi32>
      %lt3A_137 = arith.cmpi slt, %xor3A_134, %lt3A_136 : vector<16xi32>
      %add3A_138 = arith.constant 16 : i32
      %add3A_139 = vector.broadcast %add3A_138 : i32 to vector<16xi32>
      %add3A_140 = arith.addi %xor3A_134, %add3A_139 : vector<16xi32>
      %select_n3A_141 = arith.select %lt3A_137, %add3A_140, %xor3A_134 : vector<16xi1>, vector<16xi32>
      %broadcast_in_dim3A_142 = vector.shape_cast %select_n3A_141 : vector<16xi32> to vector<16x1xi32>
      %gather3A_143 = vector.shape_cast %broadcast_in_dim3A_142 : vector<16x1xi32> to vector<16xi32>
      %gather3A_144 = tpu.dynamic_gather %select_n3A_131[%gather3A_143] in [0] : vector<16xi32>, vector<16xi32> -> vector<16xi32>
      %min3A = arith.minsi %select_n3A_131, %gather3A_144 : vector<16xi32>
      %xor3A_145 = arith.constant 2 : i32
      %xor3A_146 = vector.broadcast %xor3A_145 : i32 to vector<16xi32>
      %xor3A_147 = arith.xori %iota3A, %xor3A_146 : vector<16xi32>
      %lt3A_148 = arith.constant 0 : i32
      %lt3A_149 = vector.broadcast %lt3A_148 : i32 to vector<16xi32>
      %lt3A_150 = arith.cmpi slt, %xor3A_147, %lt3A_149 : vector<16xi32>
      %add3A_151 = arith.constant 16 : i32
      %add3A_152 = vector.broadcast %add3A_151 : i32 to vector<16xi32>
      %add3A_153 = arith.addi %xor3A_147, %add3A_152 : vector<16xi32>
      %select_n3A_154 = arith.select %lt3A_150, %add3A_153, %xor3A_147 : vector<16xi1>, vector<16xi32>
      %broadcast_in_dim3A_155 = vector.shape_cast %select_n3A_154 : vector<16xi32> to vector<16x1xi32>
      %gather3A_156 = vector.shape_cast %broadcast_in_dim3A_155 : vector<16x1xi32> to vector<16xi32>
      %gather3A_157 = tpu.dynamic_gather %min3A[%gather3A_156] in [0] : vector<16xi32>, vector<16xi32> -> vector<16xi32>
      %min3A_158 = arith.minsi %min3A, %gather3A_157 : vector<16xi32>
      %xor3A_159 = arith.constant 4 : i32
      %xor3A_160 = vector.broadcast %xor3A_159 : i32 to vector<16xi32>
      %xor3A_161 = arith.xori %iota3A, %xor3A_160 : vector<16xi32>
      %lt3A_162 = arith.constant 0 : i32
      %lt3A_163 = vector.broadcast %lt3A_162 : i32 to vector<16xi32>
      %lt3A_164 = arith.cmpi slt, %xor3A_161, %lt3A_163 : vector<16xi32>
      %add3A_165 = arith.constant 16 : i32
      %add3A_166 = vector.broadcast %add3A_165 : i32 to vector<16xi32>
      %add3A_167 = arith.addi %xor3A_161, %add3A_166 : vector<16xi32>
      %select_n3A_168 = arith.select %lt3A_164, %add3A_167, %xor3A_161 : vector<16xi1>, vector<16xi32>
      %broadcast_in_dim3A_169 = vector.shape_cast %select_n3A_168 : vector<16xi32> to vector<16x1xi32>
      %gather3A_170 = vector.shape_cast %broadcast_in_dim3A_169 : vector<16x1xi32> to vector<16xi32>
      %gather3A_171 = tpu.dynamic_gather %min3A_158[%gather3A_170] in [0] : vector<16xi32>, vector<16xi32> -> vector<16xi32>
      %min3A_172 = arith.minsi %min3A_158, %gather3A_171 : vector<16xi32>
      %xor3A_173 = arith.constant 8 : i32
      %xor3A_174 = vector.broadcast %xor3A_173 : i32 to vector<16xi32>
      %xor3A_175 = arith.xori %iota3A, %xor3A_174 : vector<16xi32>
      %lt3A_176 = arith.constant 0 : i32
      %lt3A_177 = vector.broadcast %lt3A_176 : i32 to vector<16xi32>
      %lt3A_178 = arith.cmpi slt, %xor3A_175, %lt3A_177 : vector<16xi32>
      %add3A_179 = arith.constant 16 : i32
      %add3A_180 = vector.broadcast %add3A_179 : i32 to vector<16xi32>
      %add3A_181 = arith.addi %xor3A_175, %add3A_180 : vector<16xi32>
      %select_n3A_182 = arith.select %lt3A_178, %add3A_181, %xor3A_175 : vector<16xi1>, vector<16xi32>
      %broadcast_in_dim3A_183 = vector.shape_cast %select_n3A_182 : vector<16xi32> to vector<16x1xi32>
      %gather3A_184 = vector.shape_cast %broadcast_in_dim3A_183 : vector<16x1xi32> to vector<16xi32>
      %gather3A_185 = tpu.dynamic_gather %min3A_172[%gather3A_184] in [0] : vector<16xi32>, vector<16xi32> -> vector<16xi32>
      %min3A_186 = arith.minsi %min3A_172, %gather3A_185 : vector<16xi32>
      %eq3A_187 = arith.cmpi eq, %scan3A_73#1, %min3A_186 : vector<16xi32>
      %jit3A_188 = arith.constant 16 : i32
      %broadcast_in_dim3A_189 = vector.broadcast %jit3A_188 : i32 to vector<16xi32>
      %select_n3A_190 = arith.select %eq3A_187, %iota3A, %broadcast_in_dim3A_189 : vector<16xi1>, vector<16xi32>
      %xor3A_191 = arith.constant 1 : i32
      %xor3A_192 = vector.broadcast %xor3A_191 : i32 to vector<16xi32>
      %xor3A_193 = arith.xori %iota3A, %xor3A_192 : vector<16xi32>
      %lt3A_194 = arith.constant 0 : i32
      %lt3A_195 = vector.broadcast %lt3A_194 : i32 to vector<16xi32>
      %lt3A_196 = arith.cmpi slt, %xor3A_193, %lt3A_195 : vector<16xi32>
      %add3A_197 = arith.constant 16 : i32
      %add3A_198 = vector.broadcast %add3A_197 : i32 to vector<16xi32>
      %add3A_199 = arith.addi %xor3A_193, %add3A_198 : vector<16xi32>
      %select_n3A_200 = arith.select %lt3A_196, %add3A_199, %xor3A_193 : vector<16xi1>, vector<16xi32>
      %broadcast_in_dim3A_201 = vector.shape_cast %select_n3A_200 : vector<16xi32> to vector<16x1xi32>
      %gather3A_202 = vector.shape_cast %broadcast_in_dim3A_201 : vector<16x1xi32> to vector<16xi32>
      %gather3A_203 = tpu.dynamic_gather %select_n3A_190[%gather3A_202] in [0] : vector<16xi32>, vector<16xi32> -> vector<16xi32>
      %min3A_204 = arith.minsi %select_n3A_190, %gather3A_203 : vector<16xi32>
      %xor3A_205 = arith.constant 2 : i32
      %xor3A_206 = vector.broadcast %xor3A_205 : i32 to vector<16xi32>
      %xor3A_207 = arith.xori %iota3A, %xor3A_206 : vector<16xi32>
      %lt3A_208 = arith.constant 0 : i32
      %lt3A_209 = vector.broadcast %lt3A_208 : i32 to vector<16xi32>
      %lt3A_210 = arith.cmpi slt, %xor3A_207, %lt3A_209 : vector<16xi32>
      %add3A_211 = arith.constant 16 : i32
      %add3A_212 = vector.broadcast %add3A_211 : i32 to vector<16xi32>
      %add3A_213 = arith.addi %xor3A_207, %add3A_212 : vector<16xi32>
      %select_n3A_214 = arith.select %lt3A_210, %add3A_213, %xor3A_207 : vector<16xi1>, vector<16xi32>
      %broadcast_in_dim3A_215 = vector.shape_cast %select_n3A_214 : vector<16xi32> to vector<16x1xi32>
      %gather3A_216 = vector.shape_cast %broadcast_in_dim3A_215 : vector<16x1xi32> to vector<16xi32>
      %gather3A_217 = tpu.dynamic_gather %min3A_204[%gather3A_216] in [0] : vector<16xi32>, vector<16xi32> -> vector<16xi32>
      %min3A_218 = arith.minsi %min3A_204, %gather3A_217 : vector<16xi32>
      %xor3A_219 = arith.constant 4 : i32
      %xor3A_220 = vector.broadcast %xor3A_219 : i32 to vector<16xi32>
      %xor3A_221 = arith.xori %iota3A, %xor3A_220 : vector<16xi32>
      %lt3A_222 = arith.constant 0 : i32
      %lt3A_223 = vector.broadcast %lt3A_222 : i32 to vector<16xi32>
      %lt3A_224 = arith.cmpi slt, %xor3A_221, %lt3A_223 : vector<16xi32>
      %add3A_225 = arith.constant 16 : i32
      %add3A_226 = vector.broadcast %add3A_225 : i32 to vector<16xi32>
      %add3A_227 = arith.addi %xor3A_221, %add3A_226 : vector<16xi32>
      %select_n3A_228 = arith.select %lt3A_224, %add3A_227, %xor3A_221 : vector<16xi1>, vector<16xi32>
      %broadcast_in_dim3A_229 = vector.shape_cast %select_n3A_228 : vector<16xi32> to vector<16x1xi32>
      %gather3A_230 = vector.shape_cast %broadcast_in_dim3A_229 : vector<16x1xi32> to vector<16xi32>
      %gather3A_231 = tpu.dynamic_gather %min3A_218[%gather3A_230] in [0] : vector<16xi32>, vector<16xi32> -> vector<16xi32>
      %min3A_232 = arith.minsi %min3A_218, %gather3A_231 : vector<16xi32>
      %xor3A_233 = arith.constant 8 : i32
      %xor3A_234 = vector.broadcast %xor3A_233 : i32 to vector<16xi32>
      %xor3A_235 = arith.xori %iota3A, %xor3A_234 : vector<16xi32>
      %lt3A_236 = arith.constant 0 : i32
      %lt3A_237 = vector.broadcast %lt3A_236 : i32 to vector<16xi32>
      %lt3A_238 = arith.cmpi slt, %xor3A_235, %lt3A_237 : vector<16xi32>
      %add3A_239 = arith.constant 16 : i32
      %add3A_240 = vector.broadcast %add3A_239 : i32 to vector<16xi32>
      %add3A_241 = arith.addi %xor3A_235, %add3A_240 : vector<16xi32>
      %select_n3A_242 = arith.select %lt3A_238, %add3A_241, %xor3A_235 : vector<16xi1>, vector<16xi32>
      %broadcast_in_dim3A_243 = vector.shape_cast %select_n3A_242 : vector<16xi32> to vector<16x1xi32>
      %gather3A_244 = vector.shape_cast %broadcast_in_dim3A_243 : vector<16x1xi32> to vector<16xi32>
      %gather3A_245 = tpu.dynamic_gather %min3A_232[%gather3A_244] in [0] : vector<16xi32>, vector<16xi32> -> vector<16xi32>
      %min3A_246 = arith.minsi %min3A_232, %gather3A_245 : vector<16xi32>
      %lt3A_247 = arith.constant 0 : i32
      %lt3A_248 = vector.broadcast %lt3A_247 : i32 to vector<16xi32>
      %lt3A_249 = arith.cmpi slt, %min3A_246, %lt3A_248 : vector<16xi32>
      %add3A_250 = arith.constant 16 : i32
      %add3A_251 = vector.broadcast %add3A_250 : i32 to vector<16xi32>
      %add3A_252 = arith.addi %min3A_246, %add3A_251 : vector<16xi32>
      %select_n3A_253 = arith.select %lt3A_249, %add3A_252, %min3A_246 : vector<16xi1>, vector<16xi32>
      %broadcast_in_dim3A_254 = vector.shape_cast %select_n3A_253 : vector<16xi32> to vector<16x1xi32>
      %gather3A_255 = vector.shape_cast %broadcast_in_dim3A_254 : vector<16x1xi32> to vector<16xi32>
      %gather3A_256 = tpu.dynamic_gather %scan3A_73#2[%gather3A_255] in [0] : vector<16xf32>, vector<16xi32> -> vector<16xf32>
      %lt3A_257 = arith.constant 0 : i32
      %lt3A_258 = vector.broadcast %lt3A_257 : i32 to vector<16xi32>
      %lt3A_259 = arith.cmpi slt, %min3A_246, %lt3A_258 : vector<16xi32>
      %add3A_260 = arith.constant 16 : i32
      %add3A_261 = vector.broadcast %add3A_260 : i32 to vector<16xi32>
      %add3A_262 = arith.addi %min3A_246, %add3A_261 : vector<16xi32>
      %select_n3A_263 = arith.select %lt3A_259, %add3A_262, %min3A_246 : vector<16xi1>, vector<16xi32>
      %broadcast_in_dim3A_264 = vector.shape_cast %select_n3A_263 : vector<16xi32> to vector<16x1xi32>
      %gather3A_265 = vector.shape_cast %broadcast_in_dim3A_264 : vector<16x1xi32> to vector<16xi32>
      %gather3A_266 = tpu.dynamic_gather %scan3A_73#3[%gather3A_265] in [0] : vector<16xf32>, vector<16xi32> -> vector<16xf32>
      %lt3A_267 = arith.constant 0 : i32
      %lt3A_268 = vector.broadcast %lt3A_267 : i32 to vector<16xi32>
      %lt3A_269 = arith.cmpi slt, %min3A_246, %lt3A_268 : vector<16xi32>
      %add3A_270 = arith.constant 16 : i32
      %add3A_271 = vector.broadcast %add3A_270 : i32 to vector<16xi32>
      %add3A_272 = arith.addi %min3A_246, %add3A_271 : vector<16xi32>
      %select_n3A_273 = arith.select %lt3A_269, %add3A_272, %min3A_246 : vector<16xi1>, vector<16xi32>
      %broadcast_in_dim3A_274 = vector.shape_cast %select_n3A_273 : vector<16xi32> to vector<16x1xi32>
      %gather3A_275 = vector.shape_cast %broadcast_in_dim3A_274 : vector<16x1xi32> to vector<16xi32>
      %gather3A_276 = tpu.dynamic_gather %scan3A_73#4[%gather3A_275] in [0] : vector<16xf32>, vector<16xi32> -> vector<16xf32>
      scf.yield %gather3A_256, %gather3A_266, %gather3A_276 : vector<16xf32>, vector<16xf32>, vector<16xf32>
    }
    %scan3A_48 = arith.constant 128 : i32
    "tpu.region"() ({
      %run_scoped3A = tpu.sem_alloc : memref<!tpu.dma_semaphore, #tpu.memory_space<semaphore_mem>>
      %dma_start3A = arith.constant 0 : i32
      %dma_start3A_49 = tpu.memref_slice %arg3[%add3A, %dma_start3A] : memref<32x2048xf32, #tpu.memory_space<hbm>> -> memref<1x2048xf32, #tpu.memory_space<hbm>>
      %dma_start3A_50 = tpu.memref_squeeze %dma_start3A_49 : memref<1x2048xf32, #tpu.memory_space<hbm>> -> memref<2048xf32, #tpu.memory_space<hbm>>
      %dma_start3A_51 = arith.constant 0 : i32
      %dma_start3A_52 = tpu.memref_slice %arg3[%add3A, %dma_start3A_51] : memref<32x2048xf32, #tpu.memory_space<hbm>> -> memref<1x2048xf32, #tpu.memory_space<hbm>>
      %dma_start3A_53 = tpu.memref_squeeze %dma_start3A_52 : memref<1x2048xf32, #tpu.memory_space<hbm>> -> memref<2048xf32, #tpu.memory_space<hbm>>
      tpu.enqueue_dma source(%arg6 : memref<2048xf32, #tpu.memory_space<vmem>>) target(%dma_start3A_53 : memref<2048xf32, #tpu.memory_space<hbm>>) target_semaphore(%run_scoped3A : memref<!tpu.dma_semaphore, #tpu.memory_space<semaphore_mem>>)
      %dma_wait3A = arith.constant 0 : i32
      %dma_wait3A_54 = tpu.memref_slice %arg3[%add3A, %dma_wait3A] : memref<32x2048xf32, #tpu.memory_space<hbm>> -> memref<1x2048xf32, #tpu.memory_space<hbm>>
      %dma_wait3A_55 = tpu.memref_squeeze %dma_wait3A_54 : memref<1x2048xf32, #tpu.memory_space<hbm>> -> memref<2048xf32, #tpu.memory_space<hbm>>
      %dma_wait3A_56 = arith.constant 0 : i32
      %dma_wait3A_57 = tpu.memref_slice %arg3[%add3A, %dma_wait3A_56] : memref<32x2048xf32, #tpu.memory_space<hbm>> -> memref<1x2048xf32, #tpu.memory_space<hbm>>
      %dma_wait3A_58 = tpu.memref_squeeze %dma_wait3A_57 : memref<1x2048xf32, #tpu.memory_space<hbm>> -> memref<2048xf32, #tpu.memory_space<hbm>>
      tpu.wait_dma2 semaphore(%run_scoped3A : memref<!tpu.dma_semaphore, #tpu.memory_space<semaphore_mem>>) src(%arg6 : memref<2048xf32, #tpu.memory_space<vmem>>) dst(%dma_wait3A_58 : memref<2048xf32, #tpu.memory_space<hbm>>)
      tpu.yield
    }) : () -> ()
    return
  }
}

module attributes {stable_mosaic.version = 14 : i64} {
  func.func @_fps_kernel(%arg0: memref<32x3x1024xf32, #tpu.memory_space<vmem>>, %arg1: memref<512x32x3xf32, #tpu.memory_space<vmem>>) attributes {dimension_semantics = [], scalar_prefetch = 0 : i64, scratch_operands = 0 : i64, tpu.core_type = #tpu.core_type<tc>} {
    %get3A = arith.constant 0 : index
    %get3A_0 = arith.constant 0 : index
    %get3A_1 = arith.constant 0 : index
    %get3A_2 = vector.load %arg0[%get3A, %get3A_0, %get3A_1] : memref<32x3x1024xf32, #tpu.memory_space<vmem>>, vector<32x1x1024xf32>
    %get3A_3 = vector.shape_cast %get3A_2 : vector<32x1x1024xf32> to vector<32x1024xf32>
    %get3A_4 = arith.constant 0 : index
    %get3A_5 = arith.constant 1 : index
    %get3A_6 = arith.constant 0 : index
    %get3A_7 = vector.load %arg0[%get3A_4, %get3A_5, %get3A_6] : memref<32x3x1024xf32, #tpu.memory_space<vmem>>, vector<32x1x1024xf32>
    %get3A_8 = vector.shape_cast %get3A_7 : vector<32x1x1024xf32> to vector<32x1024xf32>
    %get3A_9 = arith.constant 0 : index
    %get3A_10 = arith.constant 2 : index
    %get3A_11 = arith.constant 0 : index
    %get3A_12 = vector.load %arg0[%get3A_9, %get3A_10, %get3A_11] : memref<32x3x1024xf32, #tpu.memory_space<vmem>>, vector<32x1x1024xf32>
    %get3A_13 = vector.shape_cast %get3A_12 : vector<32x1x1024xf32> to vector<32x1024xf32>
    %iota3A = tpu.iota {dimensions = array<i32: 1>} : vector<32x1024xi32>
    %broadcast_in_dim3A = arith.constant 1.000000e+10 : f32
    %broadcast_in_dim3A_14 = vector.broadcast %broadcast_in_dim3A : f32 to vector<32x1024xf32>
    %broadcast_in_dim3A_15 = arith.constant 0 : i32
    %broadcast_in_dim3A_16 = vector.broadcast %broadcast_in_dim3A_15 : i32 to vector<32x1xi32>
    %scan3A = arith.constant 0 : i32
    %scan3A_17 = arith.constant 512 : i32
    %scan3A_18 = arith.addi %scan3A, %scan3A_17 : i32
    %scan3A_19 = arith.constant 1 : i32
    %scan3A_20:2 = scf.for %scan3A_22 = %scan3A to %scan3A_18 step %scan3A_19 iter_args(%scan3A_23 = %broadcast_in_dim3A_14, %scan3A_24 = %broadcast_in_dim3A_16) -> (vector<32x1024xf32>, vector<32x1xi32>)  : i32 {
      %eq3A = vector.broadcast %scan3A_24 : vector<32x1xi32> to vector<32x1024xi32>
      %eq3A_25 = arith.cmpi eq, %iota3A, %eq3A : vector<32x1024xi32>
      %convert_element_type3A = arith.extui %eq3A_25 : vector<32x1024xi1> to vector<32x1024xi32>
      %convert_element_type3A_26 = arith.sitofp %convert_element_type3A : vector<32x1024xi32> to vector<32x1024xf32>
      %mul3A = arith.mulf %convert_element_type3A_26, %get3A_3 : vector<32x1024xf32>
      %reduce_sum3A = arith.constant dense<0.000000e+00> : vector<32xf32>
      %reduce_sum3A_27 = vector.multi_reduction <add>, %mul3A, %reduce_sum3A [1] : vector<32x1024xf32> to vector<32xf32>
      %broadcast_in_dim3A_28 = vector.shape_cast %reduce_sum3A_27 : vector<32xf32> to vector<32x1xf32>
      %mul3A_29 = arith.mulf %convert_element_type3A_26, %get3A_8 : vector<32x1024xf32>
      %reduce_sum3A_30 = arith.constant dense<0.000000e+00> : vector<32xf32>
      %reduce_sum3A_31 = vector.multi_reduction <add>, %mul3A_29, %reduce_sum3A_30 [1] : vector<32x1024xf32> to vector<32xf32>
      %broadcast_in_dim3A_32 = vector.shape_cast %reduce_sum3A_31 : vector<32xf32> to vector<32x1xf32>
      %mul3A_33 = arith.mulf %convert_element_type3A_26, %get3A_13 : vector<32x1024xf32>
      %reduce_sum3A_34 = arith.constant dense<0.000000e+00> : vector<32xf32>
      %reduce_sum3A_35 = vector.multi_reduction <add>, %mul3A_33, %reduce_sum3A_34 [1] : vector<32x1024xf32> to vector<32xf32>
      %broadcast_in_dim3A_36 = vector.shape_cast %reduce_sum3A_35 : vector<32xf32> to vector<32x1xf32>
      %concatenate3A = tpu.concatenate %broadcast_in_dim3A_28, %broadcast_in_dim3A_32, %broadcast_in_dim3A_36 in 1 : vector<32x1xf32>, vector<32x1xf32>, vector<32x1xf32> -> vector<32x3xf32>
      %broadcast_in_dim3A_37 = vector.shape_cast %concatenate3A : vector<32x3xf32> to vector<1x32x3xf32>
      %swap3A = arith.index_cast %scan3A_22 : i32 to index
      %swap3A_38 = arith.constant 0 : index
      %swap3A_39 = arith.constant 0 : index
      %swap3A_40 = vector.load %arg1[%swap3A, %swap3A_38, %swap3A_39] : memref<512x32x3xf32, #tpu.memory_space<vmem>>, vector<1x32x3xf32>
      tpu.vector_store %arg1[%swap3A, %swap3A_38, %swap3A_39], %broadcast_in_dim3A_37 {strides = array<i32>} : memref<512x32x3xf32, #tpu.memory_space<vmem>>, vector<1x32x3xf32>,
      %sub3A = vector.broadcast %broadcast_in_dim3A_28 : vector<32x1xf32> to vector<32x1024xf32>
      %sub3A_41 = arith.subf %get3A_3, %sub3A : vector<32x1024xf32>
      %integer_pow3A = arith.mulf %sub3A_41, %sub3A_41 : vector<32x1024xf32>
      %sub3A_42 = vector.broadcast %broadcast_in_dim3A_32 : vector<32x1xf32> to vector<32x1024xf32>
      %sub3A_43 = arith.subf %get3A_8, %sub3A_42 : vector<32x1024xf32>
      %integer_pow3A_44 = arith.mulf %sub3A_43, %sub3A_43 : vector<32x1024xf32>
      %add3A = arith.addf %integer_pow3A, %integer_pow3A_44 : vector<32x1024xf32>
      %sub3A_45 = vector.broadcast %broadcast_in_dim3A_36 : vector<32x1xf32> to vector<32x1024xf32>
      %sub3A_46 = arith.subf %get3A_13, %sub3A_45 : vector<32x1024xf32>
      %integer_pow3A_47 = arith.mulf %sub3A_46, %sub3A_46 : vector<32x1024xf32>
      %add3A_48 = arith.addf %add3A, %integer_pow3A_47 : vector<32x1024xf32>
      %min3A = arith.minimumf %scan3A_23, %add3A_48 : vector<32x1024xf32>
      %argmax3A = tpu.reduce_index %min3A {axis = 1 : i32, kind = #tpu.reduction_kind<arg_max>} : vector<32x1024xf32> -> vector<32xi32>
      %broadcast_in_dim3A_49 = vector.shape_cast %argmax3A : vector<32xi32> to vector<32x1xi32>
      scf.yield %min3A, %broadcast_in_dim3A_49 : vector<32x1024xf32>, vector<32x1xi32>
    }
    %scan3A_21 = arith.constant 512 : i32
    return
  }
}

module attributes {stable_mosaic.version = 14 : i64} {
  func.func @kern(%arg0: i32, %arg1: i32, %arg2: memref<1x1024x3xf32, #tpu.memory_space<vmem>>, %arg3: memref<1x64x3xf32, #tpu.memory_space<vmem>>, %arg4: memref<3x64xf32, #tpu.memory_space<vmem>>, %arg5: memref<1x64xf32, #tpu.memory_space<vmem>>, %arg6: memref<64x64xf32, #tpu.memory_space<vmem>>, %arg7: memref<1x64xf32, #tpu.memory_space<vmem>>, %arg8: memref<64x128xf32, #tpu.memory_space<vmem>>, %arg9: memref<1x128xf32, #tpu.memory_space<vmem>>, %arg10: memref<1x64x128xf32, #tpu.memory_space<vmem>>) attributes {dimension_semantics = [#tpu.dimension_semantics<arbitrary>, #tpu.dimension_semantics<arbitrary>], iteration_bounds = array<i64: 32, 8>, scalar_prefetch = 0 : i64, scratch_operands = 0 : i64, tpu.core_type = #tpu.core_type<tc>, window_params = [{transform_indices = @transform_0, window_bounds = array<i64: 1, 1024, 3>}, {transform_indices = @transform_1, window_bounds = array<i64: 1, 64, 3>}, {pipeline_mode = #tpu.pipeline_mode<synchronous>, transform_indices = @transform_2, window_bounds = array<i64: 3, 64>}, {pipeline_mode = #tpu.pipeline_mode<synchronous>, transform_indices = @transform_3, window_bounds = array<i64: 1, 64>}, {pipeline_mode = #tpu.pipeline_mode<synchronous>, transform_indices = @transform_4, window_bounds = array<i64: 64, 64>}, {pipeline_mode = #tpu.pipeline_mode<synchronous>, transform_indices = @transform_5, window_bounds = array<i64: 1, 64>}, {pipeline_mode = #tpu.pipeline_mode<synchronous>, transform_indices = @transform_6, window_bounds = array<i64: 64, 128>}, {pipeline_mode = #tpu.pipeline_mode<synchronous>, transform_indices = @transform_7, window_bounds = array<i64: 1, 128>}, {transform_indices = @transform_8, window_bounds = array<i64: 1, 64, 128>}]} {
    %get3A = arith.constant 0 : index
    %get3A_0 = arith.constant 0 : index
    %get3A_1 = arith.constant 0 : index
    %get3A_2 = vector.load %arg2[%get3A, %get3A_0, %get3A_1] : memref<1x1024x3xf32, #tpu.memory_space<vmem>>, vector<1x1024x3xf32>
    %get3A_3 = vector.shape_cast %get3A_2 : vector<1x1024x3xf32> to vector<1024x3xf32>
    %get3A_4 = arith.constant 0 : index
    %get3A_5 = arith.constant 0 : index
    %get3A_6 = arith.constant 0 : index
    %get3A_7 = vector.load %arg3[%get3A_4, %get3A_5, %get3A_6] : memref<1x64x3xf32, #tpu.memory_space<vmem>>, vector<1x64x3xf32>
    %get3A_8 = vector.shape_cast %get3A_7 : vector<1x64x3xf32> to vector<64x3xf32>
    %mul3A = arith.mulf %get3A_8, %get3A_8 : vector<64x3xf32>
    %reduce_sum3A = arith.constant dense<0.000000e+00> : vector<64xf32>
    %reduce_sum3A_9 = vector.multi_reduction <add>, %mul3A, %reduce_sum3A [1] : vector<64x3xf32> to vector<64xf32>
    %broadcast_in_dim3A = vector.shape_cast %reduce_sum3A_9 : vector<64xf32> to vector<64x1xf32>
    %mul3A_10 = arith.mulf %get3A_3, %get3A_3 : vector<1024x3xf32>
    %reduce_sum3A_11 = arith.constant dense<0.000000e+00> : vector<1024xf32>
    %reduce_sum3A_12 = vector.multi_reduction <add>, %mul3A_10, %reduce_sum3A_11 [1] : vector<1024x3xf32> to vector<1024xf32>
    %broadcast_in_dim3A_13 = vector.shape_cast %reduce_sum3A_12 : vector<1024xf32> to vector<1x1024xf32>
    %add3A = vector.broadcast %broadcast_in_dim3A : vector<64x1xf32> to vector<64x1024xf32>
    %add3A_14 = vector.broadcast %broadcast_in_dim3A_13 : vector<1x1024xf32> to vector<64x1024xf32>
    %add3A_15 = arith.addf %add3A, %add3A_14 : vector<64x1024xf32>
    %dot_general3A = arith.constant dense<0.000000e+00> : vector<64x1024xf32>
    %dot_general3A_16 = tpu.matmul %get3A_8, %get3A_3, %dot_general3A {dimension_numbers = #tpu.dot_dimension_numbers<[1], [1], [0], [0], [0, 0, 1, 0], [], []>, transpose_lhs_hint = false} : vector<64x3xf32>, vector<1024x3xf32>, vector<64x1024xf32> -> vector<64x1024xf32>
    %mul3A_17 = arith.constant 2.000000e+00 : f32
    %mul3A_18 = vector.broadcast %mul3A_17 : f32 to vector<64x1024xf32>
    %mul3A_19 = arith.mulf %mul3A_18, %dot_general3A_16 : vector<64x1024xf32>
    %sub3A = arith.subf %add3A_15, %mul3A_19 : vector<64x1024xf32>
    %le3A = arith.constant 4.000000e-02 : f32
    %le3A_20 = vector.broadcast %le3A : f32 to vector<64x1024xf32>
    %le3A_21 = arith.cmpf ole, %sub3A, %le3A_20 : vector<64x1024xf32>
    %convert_element_type3A = arith.extui %le3A_21 : vector<64x1024xi1> to vector<64x1024xi32>
    %convert_element_type3A_22 = arith.sitofp %convert_element_type3A : vector<64x1024xi32> to vector<64x1024xf32>
    %iota3A = tpu.iota {dimensions = array<i32: 0>} : vector<128x128xi32>
    %iota3A_23 = tpu.iota {dimensions = array<i32: 1>} : vector<128x128xi32>
    %lt3A = arith.cmpi slt, %iota3A, %iota3A_23 : vector<128x128xi32>
    %convert_element_type3A_24 = arith.extui %lt3A : vector<128x128xi1> to vector<128x128xi32>
    %convert_element_type3A_25 = arith.sitofp %convert_element_type3A_24 : vector<128x128xi32> to vector<128x128xf32>
    %reshape3A = vector.shape_cast %convert_element_type3A_22 : vector<64x1024xf32> to vector<512x128xf32>
    %dot_general3A_26 = arith.constant dense<0.000000e+00> : vector<512x128xf32>
    %dot_general3A_27 = tpu.matmul %reshape3A, %convert_element_type3A_25, %dot_general3A_26 {dimension_numbers = #tpu.dot_dimension_numbers<[1], [0], [0], [1], [0, 0, 1, 1], [], []>, transpose_lhs_hint = false} : vector<512x128xf32>, vector<128x128xf32>, vector<512x128xf32> -> vector<512x128xf32>
    %slice3A = vector.extract_strided_slice %dot_general3A_27 {offsets = [0, 127], sizes = [512, 1], strides = [1, 1]} : vector<512x128xf32> to vector<512x1xf32>
    %slice3A_28 = vector.extract_strided_slice %reshape3A {offsets = [0, 127], sizes = [512, 1], strides = [1, 1]} : vector<512x128xf32> to vector<512x1xf32>
    %add3A_29 = arith.addf %slice3A, %slice3A_28 : vector<512x1xf32>
    %reshape3A_30 = vector.shape_cast %add3A_29 : vector<512x1xf32> to vector<64x8xf32>
    %iota3A_31 = tpu.iota {dimensions = array<i32: 0>} : vector<8x8xi32>
    %iota3A_32 = tpu.iota {dimensions = array<i32: 1>} : vector<8x8xi32>
    %lt3A_33 = arith.cmpi slt, %iota3A_31, %iota3A_32 : vector<8x8xi32>
    %convert_element_type3A_34 = arith.extui %lt3A_33 : vector<8x8xi1> to vector<8x8xi32>
    %convert_element_type3A_35 = arith.sitofp %convert_element_type3A_34 : vector<8x8xi32> to vector<8x8xf32>
    %dot_general3A_36 = arith.constant dense<0.000000e+00> : vector<64x8xf32>
    %dot_general3A_37 = tpu.matmul %reshape3A_30, %convert_element_type3A_35, %dot_general3A_36 {dimension_numbers = #tpu.dot_dimension_numbers<[1], [0], [0], [1], [0, 0, 1, 1], [], []>, transpose_lhs_hint = false} : vector<64x8xf32>, vector<8x8xf32>, vector<64x8xf32> -> vector<64x8xf32>
    %reshape3A_38 = vector.shape_cast %dot_general3A_27 : vector<512x128xf32> to vector<64x8x128xf32>
    %broadcast_in_dim3A_39 = vector.shape_cast %dot_general3A_37 : vector<64x8xf32> to vector<64x8x1xf32>
    %add3A_40 = vector.broadcast %broadcast_in_dim3A_39 : vector<64x8x1xf32> to vector<64x8x128xf32>
    %add3A_41 = arith.addf %reshape3A_38, %add3A_40 : vector<64x8x128xf32>
    %reshape3A_42 = vector.shape_cast %add3A_41 : vector<64x8x128xf32> to vector<64x1024xf32>
    %convert_element_type3A_43 = arith.fptosi %reshape3A_42 : vector<64x1024xf32> to vector<64x1024xi32>
    %slice3A_44 = vector.extract_strided_slice %convert_element_type3A_43 {offsets = [0, 1023], sizes = [64, 1], strides = [1, 1]} : vector<64x1024xi32> to vector<64x1xi32>
    %slice3A_45 = vector.extract_strided_slice %convert_element_type3A_22 {offsets = [0, 1023], sizes = [64, 1], strides = [1, 1]} : vector<64x1024xf32> to vector<64x1xf32>
    %convert_element_type3A_46 = arith.fptosi %slice3A_45 : vector<64x1xf32> to vector<64x1xi32>
    %add3A_47 = arith.addi %slice3A_44, %convert_element_type3A_46 : vector<64x1xi32>
    %gt3A = arith.constant 0.000000e+00 : f32
    %gt3A_48 = vector.broadcast %gt3A : f32 to vector<64x1024xf32>
    %gt3A_49 = arith.cmpf ogt, %convert_element_type3A_22, %gt3A_48 : vector<64x1024xf32>
    %jit3A = arith.constant -1 : i32
    %broadcast_in_dim3A_50 = vector.broadcast %jit3A : i32 to vector<64x1024xi32>
    %select_n3A = arith.select %gt3A_49, %convert_element_type3A_43, %broadcast_in_dim3A_50 : vector<64x1024xi1>, vector<64x1024xi32>
    %iota3A_51 = tpu.iota {dimensions = array<i32: 1>} : vector<64x32x1024xi32>
    %broadcast_in_dim3A_52 = vector.shape_cast %select_n3A : vector<64x1024xi32> to vector<64x1x1024xi32>
    %eq3A = vector.broadcast %broadcast_in_dim3A_52 : vector<64x1x1024xi32> to vector<64x32x1024xi32>
    %eq3A_53 = arith.cmpi eq, %eq3A, %iota3A_51 : vector<64x32x1024xi32>
    %jit3A_54 = arith.constant 1.000000e+00 : f32
    %jit3A_55 = arith.constant 0.000000e+00 : f32
    %broadcast_in_dim3A_56 = vector.broadcast %jit3A_54 : f32 to vector<64x32x1024xf32>
    %broadcast_in_dim3A_57 = vector.broadcast %jit3A_55 : f32 to vector<64x32x1024xf32>
    %select_n3A_58 = arith.select %eq3A_53, %broadcast_in_dim3A_56, %broadcast_in_dim3A_57 : vector<64x32x1024xi1>, vector<64x32x1024xf32>
    %reshape3A_59 = vector.shape_cast %select_n3A_58 : vector<64x32x1024xf32> to vector<2048x1024xf32>
    %dot_general3A_60 = arith.constant dense<0.000000e+00> : vector<2048x3xf32>
    %dot_general3A_61 = tpu.matmul %reshape3A_59, %get3A_3, %dot_general3A_60 {dimension_numbers = #tpu.dot_dimension_numbers<[1], [0], [0], [1], [0, 0, 1, 1], [], []>, transpose_lhs_hint = false} : vector<2048x1024xf32>, vector<1024x3xf32>, vector<2048x3xf32> -> vector<2048x3xf32>
    %reshape3A_62 = vector.shape_cast %dot_general3A_61 : vector<2048x3xf32> to vector<64x32x3xf32>
    %iota3A_63 = tpu.iota {dimensions = array<i32: 1>} : vector<64x32x1xi32>
    %broadcast_in_dim3A_64 = vector.shape_cast %add3A_47 : vector<64x1xi32> to vector<64x1x1xi32>
    %lt3A_65 = vector.broadcast %broadcast_in_dim3A_64 : vector<64x1x1xi32> to vector<64x32x1xi32>
    %lt3A_66 = arith.cmpi slt, %iota3A_63, %lt3A_65 : vector<64x32x1xi32>
    %slice3A_67 = vector.extract_strided_slice %reshape3A_62 {offsets = [0, 0, 0], sizes = [64, 1, 3], strides = [1, 1, 1]} : vector<64x32x3xf32> to vector<64x1x3xf32>
    %broadcast_in_dim3A_68 = vector.shape_cast %lt3A_66 : vector<64x32x1xi1> to vector<64x32x1xi1>
    %broadcast_in_dim3A_69 = vector.broadcast %broadcast_in_dim3A_68 : vector<64x32x1xi1> to vector<64x32x3xi1>
    %broadcast_in_dim3A_70 = vector.shape_cast %slice3A_67 : vector<64x1x3xf32> to vector<64x1x3xf32>
    %broadcast_in_dim3A_71 = vector.broadcast %broadcast_in_dim3A_70 : vector<64x1x3xf32> to vector<64x32x3xf32>
    %select_n3A_72 = arith.select %broadcast_in_dim3A_69, %reshape3A_62, %broadcast_in_dim3A_71 : vector<64x32x3xi1>, vector<64x32x3xf32>
    %broadcast_in_dim3A_73 = vector.shape_cast %get3A_8 : vector<64x3xf32> to vector<64x1x3xf32>
    %sub3A_74 = vector.broadcast %broadcast_in_dim3A_73 : vector<64x1x3xf32> to vector<64x32x3xf32>
    %sub3A_75 = arith.subf %select_n3A_72, %sub3A_74 : vector<64x32x3xf32>
    %reshape3A_76 = vector.shape_cast %sub3A_75 : vector<64x32x3xf32> to vector<2048x3xf32>
    %get3A_77 = arith.constant 0 : index
    %get3A_78 = arith.constant 0 : index
    %get3A_79 = vector.load %arg4[%get3A_77, %get3A_78] : memref<3x64xf32, #tpu.memory_space<vmem>>, vector<3x64xf32>
    %get3A_80 = arith.constant 0 : index
    %get3A_81 = arith.constant 0 : index
    %get3A_82 = vector.load %arg5[%get3A_80, %get3A_81] : memref<1x64xf32, #tpu.memory_space<vmem>>, vector<1x64xf32>
    %dot_general3A_83 = arith.constant dense<0.000000e+00> : vector<2048x64xf32>
    %dot_general3A_84 = tpu.matmul %reshape3A_76, %get3A_79, %dot_general3A_83 {dimension_numbers = #tpu.dot_dimension_numbers<[1], [0], [0], [1], [0, 0, 1, 1], [], []>, transpose_lhs_hint = false} : vector<2048x3xf32>, vector<3x64xf32>, vector<2048x64xf32> -> vector<2048x64xf32>
    %add3A_85 = vector.broadcast %get3A_82 : vector<1x64xf32> to vector<2048x64xf32>
    %add3A_86 = arith.addf %dot_general3A_84, %add3A_85 : vector<2048x64xf32>
    %max3A = arith.constant 0.000000e+00 : f32
    %max3A_87 = vector.broadcast %max3A : f32 to vector<2048x64xf32>
    %max3A_88 = arith.maximumf %add3A_86, %max3A_87 : vector<2048x64xf32>
    %get3A_89 = arith.constant 0 : index
    %get3A_90 = arith.constant 0 : index
    %get3A_91 = vector.load %arg6[%get3A_89, %get3A_90] : memref<64x64xf32, #tpu.memory_space<vmem>>, vector<64x64xf32>
    %get3A_92 = arith.constant 0 : index
    %get3A_93 = arith.constant 0 : index
    %get3A_94 = vector.load %arg7[%get3A_92, %get3A_93] : memref<1x64xf32, #tpu.memory_space<vmem>>, vector<1x64xf32>
    %dot_general3A_95 = arith.constant dense<0.000000e+00> : vector<2048x64xf32>
    %dot_general3A_96 = tpu.matmul %max3A_88, %get3A_91, %dot_general3A_95 {dimension_numbers = #tpu.dot_dimension_numbers<[1], [0], [0], [1], [0, 0, 1, 1], [], []>, transpose_lhs_hint = false} : vector<2048x64xf32>, vector<64x64xf32>, vector<2048x64xf32> -> vector<2048x64xf32>
    %add3A_97 = vector.broadcast %get3A_94 : vector<1x64xf32> to vector<2048x64xf32>
    %add3A_98 = arith.addf %dot_general3A_96, %add3A_97 : vector<2048x64xf32>
    %max3A_99 = arith.constant 0.000000e+00 : f32
    %max3A_100 = vector.broadcast %max3A_99 : f32 to vector<2048x64xf32>
    %max3A_101 = arith.maximumf %add3A_98, %max3A_100 : vector<2048x64xf32>
    %get3A_102 = arith.constant 0 : index
    %get3A_103 = arith.constant 0 : index
    %get3A_104 = vector.load %arg8[%get3A_102, %get3A_103] : memref<64x128xf32, #tpu.memory_space<vmem>>, vector<64x128xf32>
    %get3A_105 = arith.constant 0 : index
    %get3A_106 = arith.constant 0 : index
    %get3A_107 = vector.load %arg9[%get3A_105, %get3A_106] : memref<1x128xf32, #tpu.memory_space<vmem>>, vector<1x128xf32>
    %dot_general3A_108 = arith.constant dense<0.000000e+00> : vector<2048x128xf32>
    %dot_general3A_109 = tpu.matmul %max3A_101, %get3A_104, %dot_general3A_108 {dimension_numbers = #tpu.dot_dimension_numbers<[1], [0], [0], [1], [0, 0, 1, 1], [], []>, transpose_lhs_hint = false} : vector<2048x64xf32>, vector<64x128xf32>, vector<2048x128xf32> -> vector<2048x128xf32>
    %add3A_110 = vector.broadcast %get3A_107 : vector<1x128xf32> to vector<2048x128xf32>
    %add3A_111 = arith.addf %dot_general3A_109, %add3A_110 : vector<2048x128xf32>
    %max3A_112 = arith.constant 0.000000e+00 : f32
    %max3A_113 = vector.broadcast %max3A_112 : f32 to vector<2048x128xf32>
    %max3A_114 = arith.maximumf %add3A_111, %max3A_113 : vector<2048x128xf32>
    %reshape3A_115 = vector.shape_cast %max3A_114 : vector<2048x128xf32> to vector<64x32x128xf32>
    %reduce_max3A = arith.constant dense<0xFF800000> : vector<64x128xf32>
    %reduce_max3A_116 = vector.multi_reduction <maximumf>, %reshape3A_115, %reduce_max3A [1] : vector<64x32x128xf32> to vector<64x128xf32>
    %swap3A = arith.constant 0 : index
    %swap3A_117 = arith.constant 0 : index
    %swap3A_118 = arith.constant 0 : index
    %swap3A_119 = vector.load %arg10[%swap3A, %swap3A_117, %swap3A_118] : memref<1x64x128xf32, #tpu.memory_space<vmem>>, vector<1x64x128xf32>
    %swap3A_120 = vector.shape_cast %swap3A_119 : vector<1x64x128xf32> to vector<64x128xf32>
    %swap3A_121 = vector.shape_cast %reduce_max3A_116 : vector<64x128xf32> to vector<1x64x128xf32>
    tpu.vector_store %arg10[%swap3A, %swap3A_117, %swap3A_118], %swap3A_121 {strides = array<i32>} : memref<1x64x128xf32, #tpu.memory_space<vmem>>, vector<1x64x128xf32>,
    return
  }
  func.func @transform_0(%arg0: i32, %arg1: i32) -> (i32, i32, i32) {
    %c0_i32 = arith.constant 0 : i32
    %c0_i32_0 = arith.constant 0 : i32
    %c0_i32_1 = arith.constant 0 : i32
    return %arg0, %c0_i32, %c0_i32_0 : i32, i32, i32
  }
  func.func @transform_1(%arg0: i32, %arg1: i32) -> (i32, i32, i32) {
    %c0_i32 = arith.constant 0 : i32
    %c0_i32_0 = arith.constant 0 : i32
    return %arg0, %arg1, %c0_i32 : i32, i32, i32
  }
  func.func @transform_2(%arg0: i32, %arg1: i32) -> (i32, i32) {
    %c0_i32 = arith.constant 0 : i32
    %c0_i32_0 = arith.constant 0 : i32
    %c0_i32_1 = arith.constant 0 : i32
    return %c0_i32, %c0_i32_0 : i32, i32
  }
  func.func @transform_3(%arg0: i32, %arg1: i32) -> (i32, i32) {
    %c0_i32 = arith.constant 0 : i32
    %c0_i32_0 = arith.constant 0 : i32
    %c0_i32_1 = arith.constant 0 : i32
    return %c0_i32, %c0_i32_0 : i32, i32
  }
  func.func @transform_4(%arg0: i32, %arg1: i32) -> (i32, i32) {
    %c0_i32 = arith.constant 0 : i32
    %c0_i32_0 = arith.constant 0 : i32
    %c0_i32_1 = arith.constant 0 : i32
    return %c0_i32, %c0_i32_0 : i32, i32
  }
  func.func @transform_5(%arg0: i32, %arg1: i32) -> (i32, i32) {
    %c0_i32 = arith.constant 0 : i32
    %c0_i32_0 = arith.constant 0 : i32
    %c0_i32_1 = arith.constant 0 : i32
    return %c0_i32, %c0_i32_0 : i32, i32
  }
  func.func @transform_6(%arg0: i32, %arg1: i32) -> (i32, i32) {
    %c0_i32 = arith.constant 0 : i32
    %c0_i32_0 = arith.constant 0 : i32
    %c0_i32_1 = arith.constant 0 : i32
    return %c0_i32, %c0_i32_0 : i32, i32
  }
  func.func @transform_7(%arg0: i32, %arg1: i32) -> (i32, i32) {
    %c0_i32 = arith.constant 0 : i32
    %c0_i32_0 = arith.constant 0 : i32
    %c0_i32_1 = arith.constant 0 : i32
    return %c0_i32, %c0_i32_0 : i32, i32
  }
  func.func @transform_8(%arg0: i32, %arg1: i32) -> (i32, i32, i32) {
    %c0_i32 = arith.constant 0 : i32
    %c0_i32_0 = arith.constant 0 : i32
    return %arg0, %arg1, %c0_i32 : i32, i32, i32
  }
}

module attributes {stable_mosaic.version = 14 : i64} {
  func.func @kern(%arg0: i32, %arg1: i32, %arg2: memref<1x512x3xf32, #tpu.memory_space<vmem>>, %arg3: memref<1x512x128xf32, #tpu.memory_space<vmem>>, %arg4: memref<1x64x3xf32, #tpu.memory_space<vmem>>, %arg5: memref<131x128xf32, #tpu.memory_space<vmem>>, %arg6: memref<1x128xf32, #tpu.memory_space<vmem>>, %arg7: memref<128x128xf32, #tpu.memory_space<vmem>>, %arg8: memref<1x128xf32, #tpu.memory_space<vmem>>, %arg9: memref<128x256xf32, #tpu.memory_space<vmem>>, %arg10: memref<1x256xf32, #tpu.memory_space<vmem>>, %arg11: memref<1x64x256xf32, #tpu.memory_space<vmem>>) attributes {dimension_semantics = [#tpu.dimension_semantics<arbitrary>, #tpu.dimension_semantics<arbitrary>], iteration_bounds = array<i64: 32, 2>, scalar_prefetch = 0 : i64, scratch_operands = 0 : i64, tpu.core_type = #tpu.core_type<tc>, window_params = [{transform_indices = @transform_0, window_bounds = array<i64: 1, 512, 3>}, {transform_indices = @transform_1, window_bounds = array<i64: 1, 512, 128>}, {transform_indices = @transform_2, window_bounds = array<i64: 1, 64, 3>}, {pipeline_mode = #tpu.pipeline_mode<synchronous>, transform_indices = @transform_3, window_bounds = array<i64: 131, 128>}, {pipeline_mode = #tpu.pipeline_mode<synchronous>, transform_indices = @transform_4, window_bounds = array<i64: 1, 128>}, {pipeline_mode = #tpu.pipeline_mode<synchronous>, transform_indices = @transform_5, window_bounds = array<i64: 128, 128>}, {pipeline_mode = #tpu.pipeline_mode<synchronous>, transform_indices = @transform_6, window_bounds = array<i64: 1, 128>}, {pipeline_mode = #tpu.pipeline_mode<synchronous>, transform_indices = @transform_7, window_bounds = array<i64: 128, 256>}, {pipeline_mode = #tpu.pipeline_mode<synchronous>, transform_indices = @transform_8, window_bounds = array<i64: 1, 256>}, {transform_indices = @transform_9, window_bounds = array<i64: 1, 64, 256>}]} {
    %get3A = arith.constant 0 : index
    %get3A_0 = arith.constant 0 : index
    %get3A_1 = arith.constant 0 : index
    %get3A_2 = vector.load %arg2[%get3A, %get3A_0, %get3A_1] : memref<1x512x3xf32, #tpu.memory_space<vmem>>, vector<1x512x3xf32>
    %get3A_3 = vector.shape_cast %get3A_2 : vector<1x512x3xf32> to vector<512x3xf32>
    %get3A_4 = arith.constant 0 : index
    %get3A_5 = arith.constant 0 : index
    %get3A_6 = arith.constant 0 : index
    %get3A_7 = vector.load %arg4[%get3A_4, %get3A_5, %get3A_6] : memref<1x64x3xf32, #tpu.memory_space<vmem>>, vector<1x64x3xf32>
    %get3A_8 = vector.shape_cast %get3A_7 : vector<1x64x3xf32> to vector<64x3xf32>
    %mul3A = arith.mulf %get3A_8, %get3A_8 : vector<64x3xf32>
    %reduce_sum3A = arith.constant dense<0.000000e+00> : vector<64xf32>
    %reduce_sum3A_9 = vector.multi_reduction <add>, %mul3A, %reduce_sum3A [1] : vector<64x3xf32> to vector<64xf32>
    %broadcast_in_dim3A = vector.shape_cast %reduce_sum3A_9 : vector<64xf32> to vector<64x1xf32>
    %mul3A_10 = arith.mulf %get3A_3, %get3A_3 : vector<512x3xf32>
    %reduce_sum3A_11 = arith.constant dense<0.000000e+00> : vector<512xf32>
    %reduce_sum3A_12 = vector.multi_reduction <add>, %mul3A_10, %reduce_sum3A_11 [1] : vector<512x3xf32> to vector<512xf32>
    %broadcast_in_dim3A_13 = vector.shape_cast %reduce_sum3A_12 : vector<512xf32> to vector<1x512xf32>
    %add3A = vector.broadcast %broadcast_in_dim3A : vector<64x1xf32> to vector<64x512xf32>
    %add3A_14 = vector.broadcast %broadcast_in_dim3A_13 : vector<1x512xf32> to vector<64x512xf32>
    %add3A_15 = arith.addf %add3A, %add3A_14 : vector<64x512xf32>
    %dot_general3A = arith.constant dense<0.000000e+00> : vector<64x512xf32>
    %dot_general3A_16 = tpu.matmul %get3A_8, %get3A_3, %dot_general3A {dimension_numbers = #tpu.dot_dimension_numbers<[1], [1], [0], [0], [0, 0, 1, 0], [], []>, transpose_lhs_hint = false} : vector<64x3xf32>, vector<512x3xf32>, vector<64x512xf32> -> vector<64x512xf32>
    %mul3A_17 = arith.constant 2.000000e+00 : f32
    %mul3A_18 = vector.broadcast %mul3A_17 : f32 to vector<64x512xf32>
    %mul3A_19 = arith.mulf %mul3A_18, %dot_general3A_16 : vector<64x512xf32>
    %sub3A = arith.subf %add3A_15, %mul3A_19 : vector<64x512xf32>
    %le3A = arith.constant 1.600000e-01 : f32
    %le3A_20 = vector.broadcast %le3A : f32 to vector<64x512xf32>
    %le3A_21 = arith.cmpf ole, %sub3A, %le3A_20 : vector<64x512xf32>
    %convert_element_type3A = arith.extui %le3A_21 : vector<64x512xi1> to vector<64x512xi32>
    %convert_element_type3A_22 = arith.sitofp %convert_element_type3A : vector<64x512xi32> to vector<64x512xf32>
    %iota3A = tpu.iota {dimensions = array<i32: 0>} : vector<128x128xi32>
    %iota3A_23 = tpu.iota {dimensions = array<i32: 1>} : vector<128x128xi32>
    %lt3A = arith.cmpi slt, %iota3A, %iota3A_23 : vector<128x128xi32>
    %convert_element_type3A_24 = arith.extui %lt3A : vector<128x128xi1> to vector<128x128xi32>
    %convert_element_type3A_25 = arith.sitofp %convert_element_type3A_24 : vector<128x128xi32> to vector<128x128xf32>
    %reshape3A = vector.shape_cast %convert_element_type3A_22 : vector<64x512xf32> to vector<256x128xf32>
    %dot_general3A_26 = arith.constant dense<0.000000e+00> : vector<256x128xf32>
    %dot_general3A_27 = tpu.matmul %reshape3A, %convert_element_type3A_25, %dot_general3A_26 {dimension_numbers = #tpu.dot_dimension_numbers<[1], [0], [0], [1], [0, 0, 1, 1], [], []>, transpose_lhs_hint = false} : vector<256x128xf32>, vector<128x128xf32>, vector<256x128xf32> -> vector<256x128xf32>
    %slice3A = vector.extract_strided_slice %dot_general3A_27 {offsets = [0, 127], sizes = [256, 1], strides = [1, 1]} : vector<256x128xf32> to vector<256x1xf32>
    %slice3A_28 = vector.extract_strided_slice %reshape3A {offsets = [0, 127], sizes = [256, 1], strides = [1, 1]} : vector<256x128xf32> to vector<256x1xf32>
    %add3A_29 = arith.addf %slice3A, %slice3A_28 : vector<256x1xf32>
    %reshape3A_30 = vector.shape_cast %add3A_29 : vector<256x1xf32> to vector<64x4xf32>
    %iota3A_31 = tpu.iota {dimensions = array<i32: 0>} : vector<4x4xi32>
    %iota3A_32 = tpu.iota {dimensions = array<i32: 1>} : vector<4x4xi32>
    %lt3A_33 = arith.cmpi slt, %iota3A_31, %iota3A_32 : vector<4x4xi32>
    %convert_element_type3A_34 = arith.extui %lt3A_33 : vector<4x4xi1> to vector<4x4xi32>
    %convert_element_type3A_35 = arith.sitofp %convert_element_type3A_34 : vector<4x4xi32> to vector<4x4xf32>
    %dot_general3A_36 = arith.constant dense<0.000000e+00> : vector<64x4xf32>
    %dot_general3A_37 = tpu.matmul %reshape3A_30, %convert_element_type3A_35, %dot_general3A_36 {dimension_numbers = #tpu.dot_dimension_numbers<[1], [0], [0], [1], [0, 0, 1, 1], [], []>, transpose_lhs_hint = false} : vector<64x4xf32>, vector<4x4xf32>, vector<64x4xf32> -> vector<64x4xf32>
    %reshape3A_38 = vector.shape_cast %dot_general3A_27 : vector<256x128xf32> to vector<64x4x128xf32>
    %broadcast_in_dim3A_39 = vector.shape_cast %dot_general3A_37 : vector<64x4xf32> to vector<64x4x1xf32>
    %add3A_40 = vector.broadcast %broadcast_in_dim3A_39 : vector<64x4x1xf32> to vector<64x4x128xf32>
    %add3A_41 = arith.addf %reshape3A_38, %add3A_40 : vector<64x4x128xf32>
    %reshape3A_42 = vector.shape_cast %add3A_41 : vector<64x4x128xf32> to vector<64x512xf32>
    %convert_element_type3A_43 = arith.fptosi %reshape3A_42 : vector<64x512xf32> to vector<64x512xi32>
    %slice3A_44 = vector.extract_strided_slice %convert_element_type3A_43 {offsets = [0, 511], sizes = [64, 1], strides = [1, 1]} : vector<64x512xi32> to vector<64x1xi32>
    %slice3A_45 = vector.extract_strided_slice %convert_element_type3A_22 {offsets = [0, 511], sizes = [64, 1], strides = [1, 1]} : vector<64x512xf32> to vector<64x1xf32>
    %convert_element_type3A_46 = arith.fptosi %slice3A_45 : vector<64x1xf32> to vector<64x1xi32>
    %add3A_47 = arith.addi %slice3A_44, %convert_element_type3A_46 : vector<64x1xi32>
    %gt3A = arith.constant 0.000000e+00 : f32
    %gt3A_48 = vector.broadcast %gt3A : f32 to vector<64x512xf32>
    %gt3A_49 = arith.cmpf ogt, %convert_element_type3A_22, %gt3A_48 : vector<64x512xf32>
    %jit3A = arith.constant -1 : i32
    %broadcast_in_dim3A_50 = vector.broadcast %jit3A : i32 to vector<64x512xi32>
    %select_n3A = arith.select %gt3A_49, %convert_element_type3A_43, %broadcast_in_dim3A_50 : vector<64x512xi1>, vector<64x512xi32>
    %iota3A_51 = tpu.iota {dimensions = array<i32: 1>} : vector<64x64x512xi32>
    %broadcast_in_dim3A_52 = vector.shape_cast %select_n3A : vector<64x512xi32> to vector<64x1x512xi32>
    %eq3A = vector.broadcast %broadcast_in_dim3A_52 : vector<64x1x512xi32> to vector<64x64x512xi32>
    %eq3A_53 = arith.cmpi eq, %eq3A, %iota3A_51 : vector<64x64x512xi32>
    %jit3A_54 = arith.constant 1.000000e+00 : f32
    %jit3A_55 = arith.constant 0.000000e+00 : f32
    %broadcast_in_dim3A_56 = vector.broadcast %jit3A_54 : f32 to vector<64x64x512xf32>
    %broadcast_in_dim3A_57 = vector.broadcast %jit3A_55 : f32 to vector<64x64x512xf32>
    %select_n3A_58 = arith.select %eq3A_53, %broadcast_in_dim3A_56, %broadcast_in_dim3A_57 : vector<64x64x512xi1>, vector<64x64x512xf32>
    %reshape3A_59 = vector.shape_cast %select_n3A_58 : vector<64x64x512xf32> to vector<4096x512xf32>
    %dot_general3A_60 = arith.constant dense<0.000000e+00> : vector<4096x3xf32>
    %dot_general3A_61 = tpu.matmul %reshape3A_59, %get3A_3, %dot_general3A_60 {dimension_numbers = #tpu.dot_dimension_numbers<[1], [0], [0], [1], [0, 0, 1, 1], [], []>, transpose_lhs_hint = false} : vector<4096x512xf32>, vector<512x3xf32>, vector<4096x3xf32> -> vector<4096x3xf32>
    %reshape3A_62 = vector.shape_cast %dot_general3A_61 : vector<4096x3xf32> to vector<64x64x3xf32>
    %iota3A_63 = tpu.iota {dimensions = array<i32: 1>} : vector<64x64x1xi32>
    %broadcast_in_dim3A_64 = vector.shape_cast %add3A_47 : vector<64x1xi32> to vector<64x1x1xi32>
    %lt3A_65 = vector.broadcast %broadcast_in_dim3A_64 : vector<64x1x1xi32> to vector<64x64x1xi32>
    %lt3A_66 = arith.cmpi slt, %iota3A_63, %lt3A_65 : vector<64x64x1xi32>
    %slice3A_67 = vector.extract_strided_slice %reshape3A_62 {offsets = [0, 0, 0], sizes = [64, 1, 3], strides = [1, 1, 1]} : vector<64x64x3xf32> to vector<64x1x3xf32>
    %broadcast_in_dim3A_68 = vector.shape_cast %lt3A_66 : vector<64x64x1xi1> to vector<64x64x1xi1>
    %broadcast_in_dim3A_69 = vector.broadcast %broadcast_in_dim3A_68 : vector<64x64x1xi1> to vector<64x64x3xi1>
    %broadcast_in_dim3A_70 = vector.shape_cast %slice3A_67 : vector<64x1x3xf32> to vector<64x1x3xf32>
    %broadcast_in_dim3A_71 = vector.broadcast %broadcast_in_dim3A_70 : vector<64x1x3xf32> to vector<64x64x3xf32>
    %select_n3A_72 = arith.select %broadcast_in_dim3A_69, %reshape3A_62, %broadcast_in_dim3A_71 : vector<64x64x3xi1>, vector<64x64x3xf32>
    %broadcast_in_dim3A_73 = vector.shape_cast %get3A_8 : vector<64x3xf32> to vector<64x1x3xf32>
    %sub3A_74 = vector.broadcast %broadcast_in_dim3A_73 : vector<64x1x3xf32> to vector<64x64x3xf32>
    %sub3A_75 = arith.subf %select_n3A_72, %sub3A_74 : vector<64x64x3xf32>
    %get3A_76 = arith.constant 0 : index
    %get3A_77 = arith.constant 0 : index
    %get3A_78 = arith.constant 0 : index
    %get3A_79 = vector.load %arg3[%get3A_76, %get3A_77, %get3A_78] : memref<1x512x128xf32, #tpu.memory_space<vmem>>, vector<1x512x128xf32>
    %get3A_80 = vector.shape_cast %get3A_79 : vector<1x512x128xf32> to vector<512x128xf32>
    %dot_general3A_81 = arith.constant dense<0.000000e+00> : vector<4096x128xf32>
    %dot_general3A_82 = tpu.matmul %reshape3A_59, %get3A_80, %dot_general3A_81 {dimension_numbers = #tpu.dot_dimension_numbers<[1], [0], [0], [1], [0, 0, 1, 1], [], []>, transpose_lhs_hint = false} : vector<4096x512xf32>, vector<512x128xf32>, vector<4096x128xf32> -> vector<4096x128xf32>
    %reshape3A_83 = vector.shape_cast %dot_general3A_82 : vector<4096x128xf32> to vector<64x64x128xf32>
    %slice3A_84 = vector.extract_strided_slice %reshape3A_83 {offsets = [0, 0, 0], sizes = [64, 1, 128], strides = [1, 1, 1]} : vector<64x64x128xf32> to vector<64x1x128xf32>
    %broadcast_in_dim3A_85 = vector.shape_cast %lt3A_66 : vector<64x64x1xi1> to vector<64x64x1xi1>
    %broadcast_in_dim3A_86 = vector.broadcast %broadcast_in_dim3A_85 : vector<64x64x1xi1> to vector<64x64x128xi1>
    %broadcast_in_dim3A_87 = vector.shape_cast %slice3A_84 : vector<64x1x128xf32> to vector<64x1x128xf32>
    %broadcast_in_dim3A_88 = vector.broadcast %broadcast_in_dim3A_87 : vector<64x1x128xf32> to vector<64x64x128xf32>
    %select_n3A_89 = arith.select %broadcast_in_dim3A_86, %reshape3A_83, %broadcast_in_dim3A_88 : vector<64x64x128xi1>, vector<64x64x128xf32>
    %concatenate3A = tpu.concatenate %sub3A_75, %select_n3A_89 in 2 : vector<64x64x3xf32>, vector<64x64x128xf32> -> vector<64x64x131xf32>
    %reshape3A_90 = vector.shape_cast %concatenate3A : vector<64x64x131xf32> to vector<4096x131xf32>
    %get3A_91 = arith.constant 0 : index
    %get3A_92 = arith.constant 0 : index
    %get3A_93 = vector.load %arg5[%get3A_91, %get3A_92] : memref<131x128xf32, #tpu.memory_space<vmem>>, vector<131x128xf32>
    %get3A_94 = arith.constant 0 : index
    %get3A_95 = arith.constant 0 : index
    %get3A_96 = vector.load %arg6[%get3A_94, %get3A_95] : memref<1x128xf32, #tpu.memory_space<vmem>>, vector<1x128xf32>
    %dot_general3A_97 = arith.constant dense<0.000000e+00> : vector<4096x128xf32>
    %dot_general3A_98 = tpu.matmul %reshape3A_90, %get3A_93, %dot_general3A_97 {dimension_numbers = #tpu.dot_dimension_numbers<[1], [0], [0], [1], [0, 0, 1, 1], [], []>, transpose_lhs_hint = false} : vector<4096x131xf32>, vector<131x128xf32>, vector<4096x128xf32> -> vector<4096x128xf32>
    %add3A_99 = vector.broadcast %get3A_96 : vector<1x128xf32> to vector<4096x128xf32>
    %add3A_100 = arith.addf %dot_general3A_98, %add3A_99 : vector<4096x128xf32>
    %max3A = arith.constant 0.000000e+00 : f32
    %max3A_101 = vector.broadcast %max3A : f32 to vector<4096x128xf32>
    %max3A_102 = arith.maximumf %add3A_100, %max3A_101 : vector<4096x128xf32>
    %get3A_103 = arith.constant 0 : index
    %get3A_104 = arith.constant 0 : index
    %get3A_105 = vector.load %arg7[%get3A_103, %get3A_104] : memref<128x128xf32, #tpu.memory_space<vmem>>, vector<128x128xf32>
    %get3A_106 = arith.constant 0 : index
    %get3A_107 = arith.constant 0 : index
    %get3A_108 = vector.load %arg8[%get3A_106, %get3A_107] : memref<1x128xf32, #tpu.memory_space<vmem>>, vector<1x128xf32>
    %dot_general3A_109 = arith.constant dense<0.000000e+00> : vector<4096x128xf32>
    %dot_general3A_110 = tpu.matmul %max3A_102, %get3A_105, %dot_general3A_109 {dimension_numbers = #tpu.dot_dimension_numbers<[1], [0], [0], [1], [0, 0, 1, 1], [], []>, transpose_lhs_hint = false} : vector<4096x128xf32>, vector<128x128xf32>, vector<4096x128xf32> -> vector<4096x128xf32>
    %add3A_111 = vector.broadcast %get3A_108 : vector<1x128xf32> to vector<4096x128xf32>
    %add3A_112 = arith.addf %dot_general3A_110, %add3A_111 : vector<4096x128xf32>
    %max3A_113 = arith.constant 0.000000e+00 : f32
    %max3A_114 = vector.broadcast %max3A_113 : f32 to vector<4096x128xf32>
    %max3A_115 = arith.maximumf %add3A_112, %max3A_114 : vector<4096x128xf32>
    %get3A_116 = arith.constant 0 : index
    %get3A_117 = arith.constant 0 : index
    %get3A_118 = vector.load %arg9[%get3A_116, %get3A_117] : memref<128x256xf32, #tpu.memory_space<vmem>>, vector<128x256xf32>
    %get3A_119 = arith.constant 0 : index
    %get3A_120 = arith.constant 0 : index
    %get3A_121 = vector.load %arg10[%get3A_119, %get3A_120] : memref<1x256xf32, #tpu.memory_space<vmem>>, vector<1x256xf32>
    %dot_general3A_122 = arith.constant dense<0.000000e+00> : vector<4096x256xf32>
    %dot_general3A_123 = tpu.matmul %max3A_115, %get3A_118, %dot_general3A_122 {dimension_numbers = #tpu.dot_dimension_numbers<[1], [0], [0], [1], [0, 0, 1, 1], [], []>, transpose_lhs_hint = false} : vector<4096x128xf32>, vector<128x256xf32>, vector<4096x256xf32> -> vector<4096x256xf32>
    %add3A_124 = vector.broadcast %get3A_121 : vector<1x256xf32> to vector<4096x256xf32>
    %add3A_125 = arith.addf %dot_general3A_123, %add3A_124 : vector<4096x256xf32>
    %max3A_126 = arith.constant 0.000000e+00 : f32
    %max3A_127 = vector.broadcast %max3A_126 : f32 to vector<4096x256xf32>
    %max3A_128 = arith.maximumf %add3A_125, %max3A_127 : vector<4096x256xf32>
    %reshape3A_129 = vector.shape_cast %max3A_128 : vector<4096x256xf32> to vector<64x64x256xf32>
    %reduce_max3A = arith.constant dense<0xFF800000> : vector<64x256xf32>
    %reduce_max3A_130 = vector.multi_reduction <maximumf>, %reshape3A_129, %reduce_max3A [1] : vector<64x64x256xf32> to vector<64x256xf32>
    %swap3A = arith.constant 0 : index
    %swap3A_131 = arith.constant 0 : index
    %swap3A_132 = arith.constant 0 : index
    %swap3A_133 = vector.load %arg11[%swap3A, %swap3A_131, %swap3A_132] : memref<1x64x256xf32, #tpu.memory_space<vmem>>, vector<1x64x256xf32>
    %swap3A_134 = vector.shape_cast %swap3A_133 : vector<1x64x256xf32> to vector<64x256xf32>
    %swap3A_135 = vector.shape_cast %reduce_max3A_130 : vector<64x256xf32> to vector<1x64x256xf32>
    tpu.vector_store %arg11[%swap3A, %swap3A_131, %swap3A_132], %swap3A_135 {strides = array<i32>} : memref<1x64x256xf32, #tpu.memory_space<vmem>>, vector<1x64x256xf32>,
    return
  }
  func.func @transform_0(%arg0: i32, %arg1: i32) -> (i32, i32, i32) {
    %c0_i32 = arith.constant 0 : i32
    %c0_i32_0 = arith.constant 0 : i32
    %c0_i32_1 = arith.constant 0 : i32
    return %arg0, %c0_i32, %c0_i32_0 : i32, i32, i32
  }
  func.func @transform_1(%arg0: i32, %arg1: i32) -> (i32, i32, i32) {
    %c0_i32 = arith.constant 0 : i32
    %c0_i32_0 = arith.constant 0 : i32
    %c0_i32_1 = arith.constant 0 : i32
    return %arg0, %c0_i32, %c0_i32_0 : i32, i32, i32
  }
  func.func @transform_2(%arg0: i32, %arg1: i32) -> (i32, i32, i32) {
    %c0_i32 = arith.constant 0 : i32
    %c0_i32_0 = arith.constant 0 : i32
    return %arg0, %arg1, %c0_i32 : i32, i32, i32
  }
  func.func @transform_3(%arg0: i32, %arg1: i32) -> (i32, i32) {
    %c0_i32 = arith.constant 0 : i32
    %c0_i32_0 = arith.constant 0 : i32
    %c0_i32_1 = arith.constant 0 : i32
    return %c0_i32, %c0_i32_0 : i32, i32
  }
  func.func @transform_4(%arg0: i32, %arg1: i32) -> (i32, i32) {
    %c0_i32 = arith.constant 0 : i32
    %c0_i32_0 = arith.constant 0 : i32
    %c0_i32_1 = arith.constant 0 : i32
    return %c0_i32, %c0_i32_0 : i32, i32
  }
  func.func @transform_5(%arg0: i32, %arg1: i32) -> (i32, i32) {
    %c0_i32 = arith.constant 0 : i32
    %c0_i32_0 = arith.constant 0 : i32
    %c0_i32_1 = arith.constant 0 : i32
    return %c0_i32, %c0_i32_0 : i32, i32
  }
  func.func @transform_6(%arg0: i32, %arg1: i32) -> (i32, i32) {
    %c0_i32 = arith.constant 0 : i32
    %c0_i32_0 = arith.constant 0 : i32
    %c0_i32_1 = arith.constant 0 : i32
    return %c0_i32, %c0_i32_0 : i32, i32
  }
  func.func @transform_7(%arg0: i32, %arg1: i32) -> (i32, i32) {
    %c0_i32 = arith.constant 0 : i32
    %c0_i32_0 = arith.constant 0 : i32
    %c0_i32_1 = arith.constant 0 : i32
    return %c0_i32, %c0_i32_0 : i32, i32
  }
  func.func @transform_8(%arg0: i32, %arg1: i32) -> (i32, i32) {
    %c0_i32 = arith.constant 0 : i32
    %c0_i32_0 = arith.constant 0 : i32
    %c0_i32_1 = arith.constant 0 : i32
    return %c0_i32, %c0_i32_0 : i32, i32
  }
  func.func @transform_9(%arg0: i32, %arg1: i32) -> (i32, i32, i32) {
    %c0_i32 = arith.constant 0 : i32
    %c0_i32_0 = arith.constant 0 : i32
    return %arg0, %arg1, %c0_i32 : i32, i32, i32
  }
}

module attributes {stable_mosaic.version = 14 : i64} {
  func.func @_head_kernel(%arg0: memref<32x128x3xf32, #tpu.memory_space<vmem>>, %arg1: memref<32x128x256xf32, #tpu.memory_space<vmem>>, %arg2: memref<259x256xf32, #tpu.memory_space<vmem>>, %arg3: memref<1x256xf32, #tpu.memory_space<vmem>>, %arg4: memref<256x512xf32, #tpu.memory_space<vmem>>, %arg5: memref<1x512xf32, #tpu.memory_space<vmem>>, %arg6: memref<512x1024xf32, #tpu.memory_space<vmem>>, %arg7: memref<1x1024xf32, #tpu.memory_space<vmem>>, %arg8: memref<1024x512xf32, #tpu.memory_space<vmem>>, %arg9: memref<1x512xf32, #tpu.memory_space<vmem>>, %arg10: memref<512x256xf32, #tpu.memory_space<vmem>>, %arg11: memref<1x256xf32, #tpu.memory_space<vmem>>, %arg12: memref<256x40xf32, #tpu.memory_space<vmem>>, %arg13: memref<1x40xf32, #tpu.memory_space<vmem>>, %arg14: memref<32x40xf32, #tpu.memory_space<vmem>>) attributes {dimension_semantics = [], scalar_prefetch = 0 : i64, scratch_operands = 0 : i64, tpu.core_type = #tpu.core_type<tc>} {
    %get3A = arith.constant 0 : index
    %get3A_0 = arith.constant 0 : index
    %get3A_1 = arith.constant 0 : index
    %get3A_2 = vector.load %arg0[%get3A, %get3A_0, %get3A_1] : memref<32x128x3xf32, #tpu.memory_space<vmem>>, vector<32x128x3xf32>
    %reshape3A = vector.shape_cast %get3A_2 : vector<32x128x3xf32> to vector<4096x3xf32>
    %get3A_3 = arith.constant 0 : index
    %get3A_4 = arith.constant 0 : index
    %get3A_5 = arith.constant 0 : index
    %get3A_6 = vector.load %arg1[%get3A_3, %get3A_4, %get3A_5] : memref<32x128x256xf32, #tpu.memory_space<vmem>>, vector<32x128x256xf32>
    %reshape3A_7 = vector.shape_cast %get3A_6 : vector<32x128x256xf32> to vector<4096x256xf32>
    %concatenate3A = tpu.concatenate %reshape3A, %reshape3A_7 in 1 : vector<4096x3xf32>, vector<4096x256xf32> -> vector<4096x259xf32>
    %get3A_8 = arith.constant 0 : index
    %get3A_9 = arith.constant 0 : index
    %get3A_10 = vector.load %arg2[%get3A_8, %get3A_9] : memref<259x256xf32, #tpu.memory_space<vmem>>, vector<259x256xf32>
    %get3A_11 = arith.constant 0 : index
    %get3A_12 = arith.constant 0 : index
    %get3A_13 = vector.load %arg3[%get3A_11, %get3A_12] : memref<1x256xf32, #tpu.memory_space<vmem>>, vector<1x256xf32>
    %dot_general3A = arith.constant dense<0.000000e+00> : vector<4096x256xf32>
    %dot_general3A_14 = tpu.matmul %concatenate3A, %get3A_10, %dot_general3A {dimension_numbers = #tpu.dot_dimension_numbers<[1], [0], [0], [1], [0, 0, 1, 1], [], []>, transpose_lhs_hint = false} : vector<4096x259xf32>, vector<259x256xf32>, vector<4096x256xf32> -> vector<4096x256xf32>
    %add3A = vector.broadcast %get3A_13 : vector<1x256xf32> to vector<4096x256xf32>
    %add3A_15 = arith.addf %dot_general3A_14, %add3A : vector<4096x256xf32>
    %max3A = arith.constant 0.000000e+00 : f32
    %max3A_16 = vector.broadcast %max3A : f32 to vector<4096x256xf32>
    %max3A_17 = arith.maximumf %add3A_15, %max3A_16 : vector<4096x256xf32>
    %get3A_18 = arith.constant 0 : index
    %get3A_19 = arith.constant 0 : index
    %get3A_20 = vector.load %arg4[%get3A_18, %get3A_19] : memref<256x512xf32, #tpu.memory_space<vmem>>, vector<256x512xf32>
    %get3A_21 = arith.constant 0 : index
    %get3A_22 = arith.constant 0 : index
    %get3A_23 = vector.load %arg5[%get3A_21, %get3A_22] : memref<1x512xf32, #tpu.memory_space<vmem>>, vector<1x512xf32>
    %dot_general3A_24 = arith.constant dense<0.000000e+00> : vector<4096x512xf32>
    %dot_general3A_25 = tpu.matmul %max3A_17, %get3A_20, %dot_general3A_24 {dimension_numbers = #tpu.dot_dimension_numbers<[1], [0], [0], [1], [0, 0, 1, 1], [], []>, transpose_lhs_hint = false} : vector<4096x256xf32>, vector<256x512xf32>, vector<4096x512xf32> -> vector<4096x512xf32>
    %add3A_26 = vector.broadcast %get3A_23 : vector<1x512xf32> to vector<4096x512xf32>
    %add3A_27 = arith.addf %dot_general3A_25, %add3A_26 : vector<4096x512xf32>
    %max3A_28 = arith.constant 0.000000e+00 : f32
    %max3A_29 = vector.broadcast %max3A_28 : f32 to vector<4096x512xf32>
    %max3A_30 = arith.maximumf %add3A_27, %max3A_29 : vector<4096x512xf32>
    %get3A_31 = arith.constant 0 : index
    %get3A_32 = arith.constant 0 : index
    %get3A_33 = vector.load %arg6[%get3A_31, %get3A_32] : memref<512x1024xf32, #tpu.memory_space<vmem>>, vector<512x1024xf32>
    %get3A_34 = arith.constant 0 : index
    %get3A_35 = arith.constant 0 : index
    %get3A_36 = vector.load %arg7[%get3A_34, %get3A_35] : memref<1x1024xf32, #tpu.memory_space<vmem>>, vector<1x1024xf32>
    %dot_general3A_37 = arith.constant dense<0.000000e+00> : vector<4096x1024xf32>
    %dot_general3A_38 = tpu.matmul %max3A_30, %get3A_33, %dot_general3A_37 {dimension_numbers = #tpu.dot_dimension_numbers<[1], [0], [0], [1], [0, 0, 1, 1], [], []>, transpose_lhs_hint = false} : vector<4096x512xf32>, vector<512x1024xf32>, vector<4096x1024xf32> -> vector<4096x1024xf32>
    %add3A_39 = vector.broadcast %get3A_36 : vector<1x1024xf32> to vector<4096x1024xf32>
    %add3A_40 = arith.addf %dot_general3A_38, %add3A_39 : vector<4096x1024xf32>
    %max3A_41 = arith.constant 0.000000e+00 : f32
    %max3A_42 = vector.broadcast %max3A_41 : f32 to vector<4096x1024xf32>
    %max3A_43 = arith.maximumf %add3A_40, %max3A_42 : vector<4096x1024xf32>
    %reshape3A_44 = vector.shape_cast %max3A_43 : vector<4096x1024xf32> to vector<32x128x1024xf32>
    %reduce_max3A = arith.constant dense<0xFF800000> : vector<32x1024xf32>
    %reduce_max3A_45 = vector.multi_reduction <maximumf>, %reshape3A_44, %reduce_max3A [1] : vector<32x128x1024xf32> to vector<32x1024xf32>
    %get3A_46 = arith.constant 0 : index
    %get3A_47 = arith.constant 0 : index
    %get3A_48 = vector.load %arg8[%get3A_46, %get3A_47] : memref<1024x512xf32, #tpu.memory_space<vmem>>, vector<1024x512xf32>
    %get3A_49 = arith.constant 0 : index
    %get3A_50 = arith.constant 0 : index
    %get3A_51 = vector.load %arg9[%get3A_49, %get3A_50] : memref<1x512xf32, #tpu.memory_space<vmem>>, vector<1x512xf32>
    %dot_general3A_52 = arith.constant dense<0.000000e+00> : vector<32x512xf32>
    %dot_general3A_53 = tpu.matmul %reduce_max3A_45, %get3A_48, %dot_general3A_52 {dimension_numbers = #tpu.dot_dimension_numbers<[1], [0], [0], [1], [0, 0, 1, 1], [], []>, transpose_lhs_hint = false} : vector<32x1024xf32>, vector<1024x512xf32>, vector<32x512xf32> -> vector<32x512xf32>
    %add3A_54 = vector.broadcast %get3A_51 : vector<1x512xf32> to vector<32x512xf32>
    %add3A_55 = arith.addf %dot_general3A_53, %add3A_54 : vector<32x512xf32>
    %max3A_56 = arith.constant 0.000000e+00 : f32
    %max3A_57 = vector.broadcast %max3A_56 : f32 to vector<32x512xf32>
    %max3A_58 = arith.maximumf %add3A_55, %max3A_57 : vector<32x512xf32>
    %get3A_59 = arith.constant 0 : index
    %get3A_60 = arith.constant 0 : index
    %get3A_61 = vector.load %arg10[%get3A_59, %get3A_60] : memref<512x256xf32, #tpu.memory_space<vmem>>, vector<512x256xf32>
    %get3A_62 = arith.constant 0 : index
    %get3A_63 = arith.constant 0 : index
    %get3A_64 = vector.load %arg11[%get3A_62, %get3A_63] : memref<1x256xf32, #tpu.memory_space<vmem>>, vector<1x256xf32>
    %dot_general3A_65 = arith.constant dense<0.000000e+00> : vector<32x256xf32>
    %dot_general3A_66 = tpu.matmul %max3A_58, %get3A_61, %dot_general3A_65 {dimension_numbers = #tpu.dot_dimension_numbers<[1], [0], [0], [1], [0, 0, 1, 1], [], []>, transpose_lhs_hint = false} : vector<32x512xf32>, vector<512x256xf32>, vector<32x256xf32> -> vector<32x256xf32>
    %add3A_67 = vector.broadcast %get3A_64 : vector<1x256xf32> to vector<32x256xf32>
    %add3A_68 = arith.addf %dot_general3A_66, %add3A_67 : vector<32x256xf32>
    %max3A_69 = arith.constant 0.000000e+00 : f32
    %max3A_70 = vector.broadcast %max3A_69 : f32 to vector<32x256xf32>
    %max3A_71 = arith.maximumf %add3A_68, %max3A_70 : vector<32x256xf32>
    %get3A_72 = arith.constant 0 : index
    %get3A_73 = arith.constant 0 : index
    %get3A_74 = vector.load %arg12[%get3A_72, %get3A_73] : memref<256x40xf32, #tpu.memory_space<vmem>>, vector<256x40xf32>
    %get3A_75 = arith.constant 0 : index
    %get3A_76 = arith.constant 0 : index
    %get3A_77 = vector.load %arg13[%get3A_75, %get3A_76] : memref<1x40xf32, #tpu.memory_space<vmem>>, vector<1x40xf32>
    %dot_general3A_78 = arith.constant dense<0.000000e+00> : vector<32x40xf32>
    %dot_general3A_79 = tpu.matmul %max3A_71, %get3A_74, %dot_general3A_78 {dimension_numbers = #tpu.dot_dimension_numbers<[1], [0], [0], [1], [0, 0, 1, 1], [], []>, transpose_lhs_hint = false} : vector<32x256xf32>, vector<256x40xf32>, vector<32x40xf32> -> vector<32x40xf32>
    %add3A_80 = vector.broadcast %get3A_77 : vector<1x40xf32> to vector<32x40xf32>
    %add3A_81 = arith.addf %dot_general3A_79, %add3A_80 : vector<32x40xf32>
    %reduce_max3A_82 = arith.constant dense<0xFF800000> : vector<32xf32>
    %reduce_max3A_83 = vector.multi_reduction <maximumf>, %add3A_81, %reduce_max3A_82 [1] : vector<32x40xf32> to vector<32xf32>
    %broadcast_in_dim3A = vector.shape_cast %reduce_max3A_83 : vector<32xf32> to vector<32x1xf32>
    %sub3A = vector.broadcast %broadcast_in_dim3A : vector<32x1xf32> to vector<32x40xf32>
    %sub3A_84 = arith.subf %add3A_81, %sub3A : vector<32x40xf32>
    %exp3A = math.exp %sub3A_84 : vector<32x40xf32>
    %reduce_sum3A = arith.constant dense<0.000000e+00> : vector<32xf32>
    %reduce_sum3A_85 = vector.multi_reduction <add>, %exp3A, %reduce_sum3A [1] : vector<32x40xf32> to vector<32xf32>
    %broadcast_in_dim3A_86 = vector.shape_cast %reduce_sum3A_85 : vector<32xf32> to vector<32x1xf32>
    %log3A = math.log %broadcast_in_dim3A_86 : vector<32x1xf32>
    %sub3A_87 = vector.broadcast %log3A : vector<32x1xf32> to vector<32x40xf32>
    %sub3A_88 = arith.subf %sub3A_84, %sub3A_87 : vector<32x40xf32>
    %swap3A = arith.constant 0 : index
    %swap3A_89 = arith.constant 0 : index
    %swap3A_90 = vector.load %arg14[%swap3A, %swap3A_89] : memref<32x40xf32, #tpu.memory_space<vmem>>, vector<32x40xf32>
    tpu.vector_store %arg14[%swap3A, %swap3A_89], %sub3A_88 {strides = array<i32>} : memref<32x40xf32, #tpu.memory_space<vmem>>, vector<32x40xf32>,
    return
  }
}

</mosaic_0001>

<sc_bundles>
// kernel: kernel.7.cloned.1.call-start
scs
__scs_entry_jumppad:
0x0: {  	(pc) =	sbr.rel $0x88, $3  }
0x1: {  	(tag) =	ssettag $0x0;
	lr =	simm.s32 $0x1  }
0x2: {  	[smem:$0x3F5C] =	sst lr;
	_ =	strace $0xD0000000  }
0x3: {  	_ = 	snop  }
0x4: {  	_ = 	snop  }
0x5: {  	_ = 	snop  }
0x6: {  	_ = 	snop  }
0x7: {  	_ = 	snop  }
__scs_overlays_trampoline_lowered:
0x8: {  	[smem:$0x3F6B] =	sst s0  }
0x9: {  	[smem:$0x3F6C] =	sst s1  }
0xa: {  	[smem:$0x3F6D] =	sst s2  }
0xb: {  	[smem:$0x3F6E] =	sst s3  }
0xc: {  	[smem:$0x3F6F] =	sst s4  }
0xd: {  	[smem:$0x3F70] =	sst s5  }
0xe: {  	[smem:$0x3F71] =	sst s6  }
0xf: {  	[smem:$0x3F72] =	sst s7  }
0x10: {  	[smem:$0x3F73] =	sst s8  }
0x11: {  	[smem:$0x3F74] =	sst s9;
	s0 =	simm.s32 @!p0 $0x0  }
0x12: {  	s1 =	sld [smem:$0x3F5A];
	s0 =	simm.s32 @p0 $0x1  }
0x13: {  	[smem:$0x3F75] =	sst s0;
	s0 =	simm.s32 @!p1 $0x0  }
0x14: {  	s2 =	sld [smem:$0x3F59];
	s0 =	simm.s32 @p1 $0x1  }
0x15: {  	[smem:$0x3F76] =	sst s0;
	s0 =	simm.s32 @!p2 $0x0  }
0x16: {  	s3 =	sld [smem:$0x3FDB];
	s0 =	simm.s32 @p2 $0x1  }
0x17: {  	s4 =	simm.s32 $0x1BF5;
	[smem:$0x3F78] =	sst s0  }
0x18: {  	s0 =	sld [smem:$0x3F5B];
	_ =	swait.ge [sflag:s4], $0x0  }
0x19: {  	s7 =	sld [smem:$0x3F5C]  }
0x1a: {  	s8 =	sadd.s32 $0xFFFFE003, lr  }
0x1b: {  	s9 =	sadd.s32 $0xFFFFFEF7, lr;
	s5 =	simm.s32 $0xFFFFFFFF;
	p2 =	slt.u32 s8, $0xFFFFF086  }
0x1c: {  	p1 =	slt.u32 s9, $0xF7A;
	s5 =	simm.s32 @!p2 $0x0  }
0x1d: {  	s5 =	simm.s32 @p1 $0x1;
	p0 =	seq.s32 s7, s2  }
0x1e: {  	s7 =	smul.u32 @!p0 $0xF7A, s2;
	p2 =	seq.s32 @!p0 s5, $0x0  }
0x1f: {  	s9 =	smul.u32 $0xF7A, s1;
	s8 =	simm.s32 @!p0 $0x1BF5;
	p2 =	por !p2, p0  }
0x20: {  	[sflag:s8] =	ssyncset.s32 @!p0 $0xFFFFF086;
	s6 =	sadd.s32 @!p0 s3, s7;
	s7 =	simm.s32 @!p0 $0x108  }
0x21: {  	s3 =	sadd.s32 s3, s9;
	s6 =	sadd.s32 @!p0 $0x88, s6;
	s7 =	simm.s32 @p2 $0x1082  }
0x22: {  	[simem:s7], [sflag:s8] =	dma.local @!p0 [hbm:s6], $0xF7A  }
0x23: {  	s9 =	sor.u32 $0xD0000000, s2;
	s6 =	simm.s32 $0x108;
	_ =	swait.ge @!p0 [sflag:s8], $0x0  }
0x24: {  	s3 =	sadd.s32 $0x88, s3;
	s6 =	simm.s32 @!p1 $0x1082;
	[sflag:s4] =	ssyncset.s32 $0xFFFFF086  }
0x25: {  	[simem:s6], [sflag:s4] =	dma.local [hbm:s3], $0xF7A  }
0x26: {  	[smem:$0x3F5C] =	sst s1;
	(tag) =	ssettag s2;
	_ =	strace s9  }
0x27: {  	s1 =	sld [smem:$0x3F6C]  }
0x28: {  	s2 =	sld [smem:$0x3F6D]  }
0x29: {  	s4 =	sld [smem:$0x3F6F]  }
0x2a: {  	p0 =	seq.s32 s5, $0x0;
	s5 =	sld [smem:$0x3F70]  }
0x2b: {  	s6 =	sld [smem:$0x3F71]  }
0x2c: {  	s7 =	sld [smem:$0x3F72]  }
0x2d: {  	s3 =	simm.s32 $0x108;
	s8 =	sld [smem:$0x3F73]  }
0x2e: {  	s3 =	simm.s32 @!p0 $0x1082;
	s9 =	sld [smem:$0x3F74]  }
0x2f: {  	lr =	sadd.s32 s0, s3;
	s0 =	sld [smem:$0x3F6B]  }
0x30: {  	s3 =	sld [smem:$0x3F6E]  }
0x31: {  	[smem:$0x3F77] =	sst s10  }
0x32: {  	s10 =	sld [smem:$0x3F75];
	_ =	sdelay $0x3  }
0x33: {  	p0 =	seq.s32 s10, $0x1;
	s10 =	sld [smem:$0x3F77];
	_ =	sdelay $0x3  }
0x34: {  	[smem:$0x3F77] =	sst s10  }
0x35: {  	s10 =	sld [smem:$0x3F76];
	_ =	sdelay $0x3  }
0x36: {  	p1 =	seq.s32 s10, $0x1;
	s10 =	sld [smem:$0x3F77];
	_ =	sdelay $0x3  }
0x37: {  	[smem:$0x3F77] =	sst s10  }
0x38: {  	s10 =	sld [smem:$0x3F78]  }
0x39: {  	_ = 	snop;
	(pc) =	sbr.ind lr, $3  }
0x3a: {  	_ = 	snop  }
0x3b: {  	_ = 	snop  }
0x3c: {  	p2 =	seq.s32 s10, $0x1;
	s10 =	sld [smem:$0x3F77]  }
0x3d: {  	_ =	shalt  }
0x3e: {  	_ =	shalt  }
0x3f: {  	_ =	shalt  }
0x40: {  	_ =	shalt  }
0x41: {  	_ =	shalt  }
0x42: {  	_ =	shalt  }
0x43: {  	_ =	shalt  }
0x44: {  	_ =	shalt  }
0x45: {  	_ =	shalt  }
0x46: {  	_ =	shalt  }
0x47: {  	_ =	shalt  }
0x48: {  	_ =	shalt  }
0x49: {  	_ =	shalt  }
0x4a: {  	_ =	shalt  }
0x4b: {  	_ =	shalt  }
0x4c: {  	_ =	shalt  }
0x4d: {  	_ =	shalt  }
0x4e: {  	_ =	shalt  }
0x4f: {  	_ =	shalt  }
0x50: {  	_ =	shalt  }
0x51: {  	_ =	shalt  }
0x52: {  	_ =	shalt  }
0x53: {  	_ =	shalt  }
0x54: {  	_ =	shalt  }
0x55: {  	_ =	shalt  }
0x56: {  	_ =	shalt  }
0x57: {  	_ =	shalt  }
0x58: {  	_ =	shalt  }
0x59: {  	_ =	shalt  }
0x5a: {  	_ =	shalt  }
0x5b: {  	_ =	shalt  }
0x5c: {  	_ =	shalt  }
0x5d: {  	_ =	shalt  }
0x5e: {  	_ =	shalt  }
0x5f: {  	_ =	shalt  }
0x60: {  	_ =	shalt  }
0x61: {  	_ =	shalt  }
0x62: {  	_ =	shalt  }
0x63: {  	_ =	shalt  }
0x64: {  	_ =	shalt  }
0x65: {  	_ =	shalt  }
0x66: {  	_ =	shalt  }
0x67: {  	_ =	shalt  }
0x68: {  	_ =	shalt  }
0x69: {  	_ =	shalt  }
0x6a: {  	_ =	shalt  }
0x6b: {  	_ =	shalt  }
0x6c: {  	_ =	shalt  }
0x6d: {  	_ =	shalt  }
0x6e: {  	_ =	shalt  }
0x6f: {  	_ =	shalt  }
0x70: {  	_ =	shalt  }
0x71: {  	_ =	shalt  }
0x72: {  	_ =	shalt  }
0x73: {  	_ =	shalt  }
0x74: {  	_ =	shalt  }
0x75: {  	_ =	shalt  }
0x76: {  	_ =	shalt  }
0x77: {  	_ =	shalt  }
0x78: {  	_ =	shalt  }
0x79: {  	_ =	shalt  }
0x7a: {  	_ =	shalt  }
0x7b: {  	_ =	shalt  }
0x7c: {  	_ =	shalt  }
0x7d: {  	_ =	shalt  }
0x7e: {  	_ =	shalt  }
0x7f: {  	_ =	shalt  }
0x80: {  	_ =	shalt  }
0x81: {  	_ =	shalt  }
0x82: {  	_ =	shalt  }
0x83: {  	_ =	shalt  }
0x84: {  	_ =	shalt  }
0x85: {  	_ =	shalt  }
0x86: {  	_ =	shalt  }
0x87: {  	_ =	shalt  }
.Lfunc_end0:
.L_simem_size_0:
called_computation_lowered:
.L_overlay_start_0:
0x88: {  	s2 =	sld [smem:$0x3FD9]  }
0x89: {  	s3 =	sld [smem:$0x3FFE];
	_ =	sdelay $0x1  }
0x8a: {  	s1 =	srdreg.scid  }
0x8b: {  	s0 =	sand.u32 $0x1, s1  }
0x8c: {  	s16 =	sshll.u32 s0, $0xA;
	s2 =	sadd.s32 s3, s2  }
0x8d: {  	s2 =	sadd.s32 s2, s16  }
0x8e: {  	[smem:$0x3F83] =	sst s2  }
0x8f: {  	_ = 	snop  }
0x90: {  	(tm) =	ssettm $0x1  }
0x91: {  	s17 =	sld [smem:$0x3FFB];
	_ =	sdelay $0x3  }
0x92: {  	_ =	strace s17  }
0x93: {  	s2 =	sld [smem:$0x3FFC];
	_ =	sdelay $0x3  }
0x94: {  	_ =	strace s2  }
0x95: {  	s2 =	sld [smem:$0x3FFD];
	_ =	sdelay $0x3  }
0x96: {  	_ =	strace s2  }
0x97: {  	_ =	strace $0x8FFFFFFF  }
0x98: {  	s18 =	sld [smem:$0x3FDB];
	_ =	sdelay $0x1  }
0x99: {  	s19 =	simm.s32 $_scs_section_size  }
0x9a: {  	s4 =	simm.s32 $_size__tile_overlayer_lowered;
	s5 =	simm.s32 $_tile_overlayer_lowered  }
0x9b: {  	s22 =	simm.s32 $0x1BFF;
	s21 =	sshll.u32 s5, $0x1;
	s2 =	sadd.s32 s19, s18  }
0x9c: {  	s6 =	simm.s32 $0x0;
	s20 =	sshll.u32 s4, $0x1;
	s4 =	sadd.s32 s21, s2  }
0x9d: {  	[timem:s6], [sflag:s22] =	dma.local [hbm:s4], s20  }
0x9e: {  	_ =	swait.ge [sflag:s22], s20  }
0x9f: {  	s3 =	ssub.s32 $0x0, s20;
	[sflag:s22] =	ssyncset.done $0x0  }
0xa0: {  	[sflag:s22] =	ssyncadd.s32 s3;
	_ =	sdelay $0x1  }
0xa1: {  	s23 =	simm.s32 $0x1B8B  }
0xa2: {  	_ =	swait.ge [sflag:s23], $0x1  }
0xa3: {  	[sflag:s23] =	ssyncset.done $0x0  }
0xa4: {  	s25 =	simm.s32 $0x1B8E;
	s24 =	sld [smem:$0x3FFE];
	[sflag:s23] =	ssyncadd.s32 $0xFFFFFFFF  }
0xa5: {  	s26 =	simm.s32 $execute0_lowered;
	[smem:$0x3FD2] =	sst s25  }
0xa6: {  	s4 =	sshll.u32 s26, $0x1;
	_ =	strace $0x80000046;
	[dreg:$0x1] =	wrdreg $0xFFFFFFFF  }
0xa7: {  	s28 =	simm.s32 $_size_execute0_lowered;
	s2 =	sadd.s32 s2, s4;
	[dreg:$0x0] =	wrdreg $0x0  }
0xa8: {  	s4 =	sshll.u32 s28, $0x1;
	[dreg:$0x2] =	wrdreg s2  }
0xa9: {  	[dreg:$0x3] =	wrdreg s4  }
0xaa: {  	[dreg:$0x4] =	wrdreg $0xC0  }
0xab: {  	_ =	task [dreg:s6], $0x5FFFF  }
0xac: {  	[dreg:$0x1] =	wrdreg $0xFFFFFFFF  }
0xad: {  	[dreg:$0x0] =	wrdreg $0x60  }
0xae: {  	[dreg:$0x2] =	wrdreg s24  }
0xaf: {  	[dreg:$0x3] =	wrdreg $0x9  }
0xb0: {  	_ =	task.clear_ibuf [dreg:s6], $0x4FFFF;
	_ =	strace $0x90000046  }
0xb1: {  	s29 =	simm.s32 $0x9;
	_ =	strace $0x80000048  }
0xb2: {  	_ =	swait.ge [sflag:s29], $0x1  }
0xb3: {  	[sflag:s29] =	ssyncadd.s32 $0xFFFFFFFF  }
0xb4: {  	_ =	strace $0x90000048  }
0xb5: {  	_ =	sfence  }
0xb6: {  	s30 =	sld [smem:$0x0];
	_ =	sdelay $0x2  }
0xb7: {  	s31 =	sshll.u32 s1, $0xD;
	s1 =	sshrl.u32 s1, $0x2  }
0xb8: {  	s3 =	sand.u32 $0x4000, s31;
	s1 =	sadd.s32 s1, s30  }
0xb9: {  	s0 =	sor.u32 s3, s0;
	s1 =	sshll.u32 s1, $0x11  }
0xba: {  	s0 =	sor.u32 s1, s0  }
0xbb: {  	s0 =	sadd.s32 $0x8F2B, s0  }
0xbc: {  	[sflag:s0] =	ssyncadd.remote.s32 $0x1  }
0xbd: {  	_ =	sfence.sel $0xFFFF  }
0xbe: {  	[dreg:$0x0] =	wrdreg $0xFFFFFFFF;
	(pc) =	sbr.abs _section_cstart, $3  }
0xbf: {  	[dreg:$0x1] =	wrdreg $0xFFFFFFFF  }
0xc0: {  	_ =	task.clear_ibuf [dreg:s6], $0x2FFFF;
	_ =	strace $0x9FFFFFFF  }
0xc1: {  	(tm) =	ssettm $0x7FFFFFFF  }
tec
execute0_lowered:
.L_overlay_start_1:
0x0: {  	(tag) =	ssettag $0x1  }
0x1: {  	v0 =	vimm.s32 $0xEFCDAB89  }
0x2: {  	v1 =	vimm.s32 $0x67452301;
	v0 =	vunpack.c.l.s4.s8 v0  }
0x3: {  	v1 =	vunpack.c.l.s4.s8 v1  }
0x4: {  	s3 =	rddreg [dreg:$0x0];
	v2 =	vunpack.c.0.s8.s32 v0;
	v0 =	vimm.s32 $0xDCFE98BA  }
0x5: {  	s0 =	rddreg [dreg:$0x1];
	v1 =	vunpack.c.0.s8.s32 v1;
	v3 =	vunpack.c.l.s4.s8 v0;
	v0 =	vimm.s32 $0x54761032  }
0x6: {  	s2 =	simm.s32 $0x0;
	s4 =	srdreg.scid;
	s1 =	stileid.u32;
	v4 =	vunpack.c.l.s4.s8 v0  }
0x7: {  	v6 =	vimm.s32 $0xFEDCBA98;
	s9 =	simm.s32 $0x800;
	s10 =	simm.s32 $0x0;
	s4 =	sand.u32 $0x1, s4;
	v5 =	vcombine.low v1, v2;
	v1 =	vunpack.c.0.s8.s32 v3  }
0x8: {  	s5 =	sshrl.u32 s1, $0x2;
	s6 =	sshll.u32 s1, $0x8;
	[smem:$0x7FF] =	sst s2;
	v3 =	vimm.s32 $0xBA98FEDC;
	v2 =	vunpack.c.0.s8.s32 v4;
	v4 =	vimm.s32 $0x32107654  }
0x9: {  	vm0 =	vcmask $0x3F08;
	s7 =	sshll.u32 s4, $0x7;
	s6 =	sand.u32 $0x300, s6;
	s8 =	smul.u32 $0x3000, s5;
	v3 =	vunpack.c.l.s4.s8 v3;
	v4 =	vunpack.c.l.s4.s8 v4  }
0xa: {  	s5 =	sshll.u32 s5, $0xE;
	s4 =	ssub.s32 $0x2, s4;
	s6 =	sor.u32 s7, s6;
	v7 =	vcombine.low v2, v1;
	v1 =	vimm.s32 $0x76543210;
	v2 =	vunpack.c.l.s4.s8 v6  }
0xb: {  	_ =	strace $0x80000047;
	s30 =	sshrl.u32 s4, $0x1;
	s7 =	sor.u32 s8, s6;
	v3 =	vunpack.c.0.s8.s32 v3;
	v4 =	vunpack.c.0.s8.s32 v4;
	v6 =	vunpack.c.l.s4.s8 v1  }
0xc: {  	vm1 =	vmmov $0x1;
	s5 =	sor.u32 s5, s6;
	s31 =	ssub.s32 s4, s30;
	v0 =	vimm.f32 $1.000000000e+10;
	s29 =	sshrl.u32 s7, $0x3;
	v8 =	vunpack.c.0.s8.s32 v2  }
0xd: {  	s8 =	simm.s32 $0x1;
	s5 =	sshrl.u32 s5, $0x3;
	s6 =	sadd.s32 s29, s3;
	v1 =	vimm.s32 $0x0;
	v9 =	vcombine.low v4, v3;
	v6 =	vunpack.c.0.s8.s32 v6  }
0xe: {  	s7 =	simm.s32 $0x400;
	s5 =	sadd.s32 s5, s3;
	s3 =	sadd.s32 $0x9400, s6;
	v2 =	vlaneseq.u32;
	v3 =	vand.u32 $0xF, v5;
	v8 =	vand.u32 $0xF, v8  }
0xf: {  	s4 =	sadd.s32 $0xAC00, s5;
	s5 =	smax.u32 s31, $0x1;
	s6 =	simm.s32 $0x80;
	v4 =	vand.u32 $0xF, v7;
	v5 =	vand.u32 $0xF, v9;
	v6 =	vcombine.low v8, v6  }
.LBB2_1:
0x10: {  	[tilespmem:s2], [sflag:$0x1] =	stream.strided.gather [hbm4b:s3+s6], $0x600, s7, s6, $0x38;
	[tilespmem:$0x1000] =	vst v63  }
0x11: {  	_ =	swait.ge [sflag:s8], $0x600  }
0x12: {  	[sflag:s8] =	ssyncset.done $0x0  }
0x13: {  	[sflag:s8] =	ssyncadd.s32 $0xFFFFFA00  }
0x14: {  	[tilespmem:$0x600] =	vst v0  }
0x15: {  	[tilespmem:$0x610] =	vst v0  }
0x16: {  	[tilespmem:$0x620] =	vst v0  }
0x17: {  	[tilespmem:$0x630] =	vst v0  }
0x18: {  	[tilespmem:$0x640] =	vst v0  }
0x19: {  	[tilespmem:$0x650] =	vst v0  }
0x1a: {  	[tilespmem:$0x660] =	vst v0  }
0x1b: {  	[tilespmem:$0x670] =	vst v0  }
0x1c: {  	[tilespmem:$0x680] =	vst v0  }
0x1d: {  	[tilespmem:$0x690] =	vst v0  }
0x1e: {  	[tilespmem:$0x6A0] =	vst v0  }
0x1f: {  	[tilespmem:$0x6B0] =	vst v0  }
0x20: {  	[tilespmem:$0x6C0] =	vst v0  }
0x21: {  	[tilespmem:$0x6D0] =	vst v0  }
0x22: {  	[tilespmem:$0x6E0] =	vst v0  }
0x23: {  	[tilespmem:$0x6F0] =	vst v0  }
0x24: {  	[tilespmem:$0x700] =	vst v0  }
0x25: {  	[tilespmem:$0x710] =	vst v0  }
0x26: {  	[tilespmem:$0x720] =	vst v0  }
0x27: {  	[tilespmem:$0x730] =	vst v0  }
0x28: {  	[tilespmem:$0x740] =	vst v0  }
0x29: {  	[tilespmem:$0x750] =	vst v0  }
0x2a: {  	[tilespmem:$0x760] =	vst v0  }
0x2b: {  	[tilespmem:$0x770] =	vst v0  }
0x2c: {  	[tilespmem:$0x780] =	vst v0;
	v7 =	vld [tilespmem:$0x0]  }
0x2d: {  	[tilespmem:$0x790] =	vst v0;
	v8 =	vld [tilespmem:$0x200]  }
0x2e: {  	[tilespmem:$0x7A0] =	vst v0;
	v9 =	vld [tilespmem:$0x400]  }
0x2f: {  	[tilespmem:$0x7B0] =	vst v0  }
0x30: {  	[tilespmem:$0x7C0] =	vst v0  }
0x31: {  	[tilespmem:$0x7D0] =	vst v0  }
0x32: {  	[tilespmem:$0x7E0] =	vst v0;
	v13 =	vperm.xlane v7, v1  }
0x33: {  	s11 =	simm.s32 $0x0;
	[tilespmem:$0x7F0] =	vst v0;
	v14 =	vperm.xlane v8, v1;
	v15 =	vperm.xlane v9, v1  }
.LBB2_2:
0x34: {  	_ = 	snop  }
0x35: {  	s12 =	sshll.u32 s11, $0x4;
	v7 =	vsel vm0, v15, v14  }
0x36: {  	s12 =	sand.u32 $0x3FFFFFF0, s12;
	v7 =	vsel vm1, v13, v7  }
0x37: {  	s13 =	simm.s32 $0x0;
	[tilespmem:s12+$0x800] =	vst v7  }
0x38: {  	s31 =	sand.u32 $0x1F0, s13;
	v7 =	vld [tilespmem:s13+$0x0]  }
0x39: {  	v8 =	vld [tilespmem:s31+$0x200];
	_ =	sdelay $0x1  }
0x3a: {  	v9 =	vld [tilespmem:s31+$0x400];
	_ =	sdelay $0x2  }
0x3b: {  	v10 =	vsub.f32 v7, v13;
	v11 =	vsub.f32 v8, v14;
	_ =	sdelay $0x1  }
0x3c: {  	s12 =	simm.s32 $0x600;
	v12 =	vsub.f32 v9, v15;
	v10 =	vmul.f32 v10, v10;
	v11 =	vmul.f32 v11, v11  }
0x3d: {  	v16 =	vld [tilespmem:s12+$0x0]  }
0x3e: {  	v10 =	vadd.f32 v11, v10;
	v11 =	vmul.f32 v12, v12;
	_ =	sdelay $0x1  }
0x3f: {  	v10 =	vadd.f32 v11, v10  }
0x40: {  	v17 =	vimm.f32 $-1.000000000e+00;
	v18 =	vor.u32 s13, v2  }
0x41: {  	v12 =	vimm.f32 $0.0e+00;
	v11 =	vimm.f32 $0.0e+00;
	v19 =	vmin.f32 v16, v10  }
0x42: {  	s14 =	simm.s32 $0x10;
	s15 =	simm.s32 $0x20;
	s13 =	simm.s32 $0x10;
	v16 =	vimm.s32 $0x0;
	v10 =	vimm.f32 $0.0e+00;
	vm2 =	vgt.f32 v19, v17;
	[tilespmem:s12+$0x0] =	vst v19  }
.LBB2_3:
0x43: {  	p0 =	sne.s32 s15, $0x1F0;
	s16 =	sand.u32 $0x1F0, s13;
	v17 =	vsel vm2, v19, v17;
	v16 =	vsel vm2, v18, v16;
	v10 =	vsel vm2, v7, v10;
	v7 =	vld [tilespmem:s14+$0x0]  }
0x44: {  	v11 =	vsel vm2, v8, v11;
	v12 =	vsel vm2, v9, v12;
	v8 =	vld [tilespmem:s16+$0x200];
	_ =	sdelay $0x1  }
0x45: {  	v9 =	vld [tilespmem:s16+$0x400];
	_ =	sdelay $0x2  }
0x46: {  	v18 =	vsub.f32 v7, v13;
	v19 =	vsub.f32 v8, v14;
	_ =	sdelay $0x1  }
0x47: {  	s12 =	sadd.s32 $0x10, s12;
	v18 =	vmul.f32 v18, v18;
	v20 =	vsub.f32 v9, v15;
	v19 =	vmul.f32 v19, v19  }
0x48: {  	v21 =	vld [tilespmem:s12+$0x0]  }
0x49: {  	v18 =	vadd.f32 v19, v18;
	v19 =	vmul.f32 v20, v20  }
.Ltmp0:
0x4a: {  	(pc) =	sbr.rel @p0 .LBB2_3-.Ltmp0, $3  }
0x4b: {  	v18 =	vadd.f32 v19, v18;
	_ =	sdelay $0x1  }
0x4c: {  	v19 =	vmin.f32 v21, v18  }
0x4d: {  	s14 =	sadd.s32 $0x10, s14;
	v18 =	vor.u32 s13, v2;
	s13 =	smov.u32 s15;
	s15 =	sadd.s32 $0x10, s15;
	[tilespmem:s12+$0x0] =	vst v19;
	vm2 =	vgt.f32 v19, v17  }
0x4e: {  	v20 =	vld [tilespmem:s14+$0x0];
	s31 =	sand.u32 $0x1F0, s13  }
0x4f: {  	v21 =	vld [tilespmem:s31+$0x200];
	_ =	sdelay $0x1  }
0x50: {  	v22 =	vld [tilespmem:s31+$0x400];
	_ =	sdelay $0x2  }
0x51: {  	v13 =	vsub.f32 v20, v13;
	v14 =	vsub.f32 v21, v14;
	_ =	sdelay $0x1  }
0x52: {  	s12 =	sadd.s32 $0x10, s12;
	v15 =	vsub.f32 v22, v15;
	v13 =	vmul.f32 v13, v13;
	v14 =	vmul.f32 v14, v14  }
0x53: {  	v23 =	vld [tilespmem:s12+$0x0]  }
0x54: {  	v13 =	vadd.f32 v14, v13;
	v14 =	vmul.f32 v15, v15;
	_ =	sdelay $0x1  }
0x55: {  	v13 =	vadd.f32 v14, v13;
	_ =	sdelay $0x1  }
0x56: {  	v14 =	vsel vm2, v19, v17;
	v15 =	vmin.f32 v23, v13  }
0x57: {  	vm3 =	vgt.f32 v15, v14  }
0x58: {  	v13 =	vsel vm3, v15, v14  }
0x59: {  	v14 =	vperm.xlane v13, v3;
	_ =	sdelay $0x1  }
0x5a: {  	v14 =	vmax.f32 v13, v14  }
0x5b: {  	v17 =	vperm.xlane v14, v4;
	_ =	sdelay $0x1  }
0x5c: {  	v14 =	vmax.f32 v14, v17  }
0x5d: {  	v17 =	vperm.xlane v14, v5;
	_ =	sdelay $0x1  }
0x5e: {  	v14 =	vmax.f32 v14, v17  }
0x5f: {  	v17 =	vperm.xlane v14, v6;
	_ =	sdelay $0x1  }
0x60: {  	v16 =	vsel vm2, v18, v16;
	v14 =	vmax.f32 v14, v17;
	v17 =	vor.u32 s13, v2  }
0x61: {  	v16 =	vsel vm3, v17, v16;
	vm4 =	veq.f32 v13, v14  }
0x62: {  	v13 =	vnsel vm4, $0x200, v16  }
0x63: {  	v14 =	vperm.xlane v13, v3;
	_ =	sdelay $0x1  }
0x64: {  	vm4 =	vlt.s32 v13, v14  }
0x65: {  	v13 =	vsel vm4, v13, v14  }
0x66: {  	v14 =	vperm.xlane v13, v4;
	_ =	sdelay $0x1  }
0x67: {  	vm4 =	vlt.s32 v13, v14  }
0x68: {  	v13 =	vsel vm4, v13, v14  }
0x69: {  	v14 =	vperm.xlane v13, v5;
	_ =	sdelay $0x1  }
0x6a: {  	vm4 =	vlt.s32 v13, v14  }
0x6b: {  	v13 =	vsel vm4, v13, v14  }
0x6c: {  	v14 =	vperm.xlane v13, v6;
	_ =	sdelay $0x1  }
0x6d: {  	vm4 =	vlt.s32 v13, v14  }
0x6e: {  	v13 =	vsel vm4, v13, v14  }
0x6f: {  	vm4 =	veq.s32 v16, v13  }
0x70: {  	v13 =	vnsel vm4, $0x10, v2  }
0x71: {  	v14 =	vperm.xlane v13, v3;
	_ =	sdelay $0x1  }
0x72: {  	vm4 =	vlt.s32 v13, v14  }
0x73: {  	v13 =	vsel vm4, v13, v14  }
0x74: {  	v14 =	vperm.xlane v13, v4;
	_ =	sdelay $0x1  }
0x75: {  	vm4 =	vlt.s32 v13, v14  }
0x76: {  	v13 =	vsel vm4, v13, v14  }
0x77: {  	v14 =	vperm.xlane v13, v5;
	_ =	sdelay $0x1  }
0x78: {  	vm4 =	vlt.s32 v13, v14  }
0x79: {  	v13 =	vsel vm4, v13, v14  }
0x7a: {  	s11 =	sadd.s32 $0x1, s11;
	v14 =	vperm.xlane v13, v6  }
0x7b: {  	p0 =	sne.s32 s11, $0x80  }
.Ltmp1:
0x7c: {  	vm4 =	vlt.s32 v13, v14;
	(pc) =	sbr.rel @p0 .LBB2_2-.Ltmp1, $4  }
0x7d: {  	v7 =	vsel vm2, v7, v10;
	v8 =	vsel vm2, v8, v11;
	v13 =	vsel vm4, v13, v14  }
0x7e: {  	v9 =	vsel vm2, v9, v12;
	v7 =	vsel vm3, v20, v7;
	v63 =	vand.u32 $0xF, v13  }
0x7f: {  	v8 =	vsel vm3, v21, v8;
	v9 =	vsel vm3, v22, v9;
	v13 =	vperm.xlane v7, v63  }
0x80: {  	[tilespmem:s12+$0x0] =	vst v15;
	v14 =	vperm.xlane v8, v63;
	v15 =	vperm.xlane v9, v63  }
0x81: {  	s10 =	sadd.s32 $0x1, s10  }
0x82: {  	p0 =	sne.s32 s10, s5  }
.Ltmp2:
0x83: {  	_ = 	snop;
	(pc) =	sbr.rel @p0 .LBB2_1-.Ltmp2, $4  }
0x84: {  	[hbm4b:s4+s6] =	stream.strided.scatter [tilespmem:s9], [sflag:$0x1], $0x800, s7, s6, $0x38;
	[tilespmem:$0x1000] =	vst v63  }
0x85: {  	_ =	swait.ge [sflag:s8], $0x800  }
0x86: {  	[sflag:s8] =	ssyncset.done $0x0  }
0x87: {  	[sflag:s8] =	ssyncadd.s32 $0xFFFFF800  }
0x88: {  	_ =	sfence.sel $0x180000  }
0x89: {  	[bflag:$0x0] =	sbarrier.arrive $0xFFFF  }
0x8a: {  	p0 =	sne.s32 s1, $0x0;
	_ =	strace $0x90000047  }
0x8b: {  	s0 =	sadd.s32 @!p0 $0x100000, s0;
	[bflag:$0x2] =	sbarrier.arrive $0xFFFF  }
0x8c: {  	[sflag:s0] =	ssyncadd.tile.s32 @!p0 $0x1;
	_ =	shalt  }
.Lfunc_end2:
_tile_overlayer_lowered:
.L_overlay_start_2:
0x8d: {  	(tag) =	ssettag $0x2  }
0x8e: {  	s0 =	rddreg [dreg:$0x0];
	s2 =	stileid.u32  }
0x8f: {  	s1 =	rddreg [dreg:$0x1];
	p0 =	sne.s32 s2, $0x0  }
0x90: {  	s3 =	rddreg [dreg:$0x2];
	[bflag:$0x3] =	sbarrier.arrive $0xFFFF;
	s2 =	simm.s32 @!p0 $0x1C01  }
0x91: {  	[timem:s3], [sflag:s2] =	dma.local @!p0 [hbm:s0], s1  }
0x92: {  	s0 =	simm.s32 @!p0 $0x1  }
0x93: {  	_ =	swait.ge @!p0 [sflag:s0], s1  }
0x94: {  	s1 =	ssub.s32 @!p0 $0x0, s1;
	[sflag:s0] =	ssyncset.done @!p0 $0x0  }
0x95: {  	[sflag:s0] =	ssyncadd.s32 @!p0 s1  }
0x96: {  	[bflag:$0x3] =	sbarrier.arrive $0xFFFF  }
0x97: {  	_ =	shalt  }

</sc_bundles>
